<compile_context>
chip_gen: v7x
topology: tpu7x:2x2x1
jax: 0.10.2.dev20260603
libtpu: 0.0.44.dev20260713+nightly
codegen_flags: <defaults>
</compile_context>

<pallas_src>
import functools

import jax
import jax.numpy as jnp
from jax import lax
from jax.experimental import pallas as pl
from jax.experimental.pallas import tpu as pltpu
from jax.experimental.pallas import tpu_sc as plsc

N = 10000
E = 320000
HIDDEN = 128
NODE_VOCAB = 100

NUM_CORES = 2
NUM_SUBCORES = 16
NW = NUM_CORES * NUM_SUBCORES
EDGES_PER_W = E // NW
CHUNK = 80
NB = 11
NCHUNKS = EDGES_PER_W // CHUNK
NGROUPS = NCHUNKS // NB
EDGE_VOCAB_ROWS = 10


def _edge_gather_body(table_hbm, attr_hbm, out_hbm, idx_v, rows_v, table_sh,
                      *gsems):
    sid = lax.axis_index("s")
    wid = sid * NUM_CORES + lax.axis_index("c")
    base = wid * EDGES_PER_W
    gsem = gsems

    @pl.when(sid == 0)
    def _stage():
        pltpu.sync_copy(table_hbm, table_sh)

    pltpu.sync_copy(attr_hbm.at[pl.ds(base, EDGES_PER_W)], idx_v)
    plsc.subcore_barrier()

    def start_gather(c, b):
        pltpu.async_copy(table_sh.at[idx_v.at[pl.ds(c * CHUNK, CHUNK)]],
                         rows_v.at[b], gsem[b])

    def wait_gather(c, b):
        pltpu.make_async_copy(
            table_sh.at[idx_v.at[pl.ds(c * CHUNK, CHUNK)]],
            rows_v.at[b], gsem[b]).wait()

    for b in range(NB):
        start_gather(b, b)

    def group_body(i, carry):
        c0 = i * NB
        for b in range(NB):
            c = c0 + b
            wait_gather(c, b)
            pltpu.sync_copy(rows_v.at[b],
                            out_hbm.at[pl.ds(base + c * CHUNK, CHUNK)])

            @pl.when(c + NB < NCHUNKS)
            def _prefetch():
                start_gather(c + NB, b)

        return carry

    lax.fori_loop(0, NGROUPS, group_body, 0)

    for b in range(NCHUNKS - NGROUPS * NB):
        c = NGROUPS * NB + b
        wait_gather(c, b)
        pltpu.sync_copy(rows_v.at[b],
                        out_hbm.at[pl.ds(base + c * CHUNK, CHUNK)])


_edge_gather = functools.partial(
    pl.kernel,
    out_type=jax.ShapeDtypeStruct((E, HIDDEN), jnp.float32),
    mesh=plsc.VectorSubcoreMesh(core_axis_name="c", subcore_axis_name="s"),
    scratch_types=[
        pltpu.VMEM((EDGES_PER_W,), jnp.int32),
        pltpu.VMEM((NB, CHUNK, HIDDEN), jnp.float32),
        pltpu.VMEM_SHARED((EDGE_VOCAB_ROWS, HIDDEN), jnp.float32),
    ] + [pltpu.SemaphoreType.DMA] * NB,
)(_edge_gather_body)


ROWS_BLK = N


def _node_body(x_ref, pe_ref, nt_ref, pw_ref, pb_ref, out_ref):
    xb = x_ref[...]
    oh = (xb == lax.broadcasted_iota(jnp.int32, (ROWS_BLK, NODE_VOCAB), 1))
    node = lax.dot_general(
        oh.astype(jnp.float32), nt_ref[...],
        (((1,), (0,)), ((), ())), preferred_element_type=jnp.float32)
    proj = lax.dot_general(
        pe_ref[...], pw_ref[...],
        (((1,), (0,)), ((), ())), preferred_element_type=jnp.float32)
    out_ref[...] = node + proj + pb_ref[...]


def _node_encode(x2d, pe, node_table, pe_W, pe_b2d):
    grid = N // ROWS_BLK
    return pl.pallas_call(
        _node_body,
        grid=(grid,),
        in_specs=[
            pl.BlockSpec((ROWS_BLK, 1), lambda i: (i, 0)),
            pl.BlockSpec((ROWS_BLK, pe.shape[1]), lambda i: (i, 0)),
            pl.BlockSpec(node_table.shape, lambda i: (0, 0)),
            pl.BlockSpec(pe_W.shape, lambda i: (0, 0)),
            pl.BlockSpec((1, HIDDEN), lambda i: (0, 0)),
        ],
        out_specs=pl.BlockSpec((ROWS_BLK, HIDDEN), lambda i: (i, 0)),
        out_shape=jax.ShapeDtypeStruct((N, HIDDEN), jnp.float32),
    )(x2d, pe, node_table, pe_W, pe_b2d)


def kernel(x, edge_attr, pe, edge_index, node_table, edge_table, pe_W, pe_b):
    del edge_index
    e_emb = _edge_gather(edge_table, edge_attr.astype(jnp.int32))
    x_emb = _node_encode(
        x.astype(jnp.int32).reshape(N, 1), pe, node_table, pe_W,
        pe_b.reshape(1, HIDDEN))
    return (x_emb, e_emb)

# --- scband reference (transcript-rebuilt; emitter-appended) ---
"""Pipeline reference for scband-feature-encoder-24919400252129 (READ-ONLY COPY).

The authoritative reference and input builder live on the scoring server;
editing this copy changes nothing except your own understanding.
"""

import jax, jax.numpy as jnp
import numpy as np

N = 10000
E = 320000
HIDDEN = 128
PE_DIM = 16
NODE_VOCAB = 100
EDGE_VOCAB = 10


def setup_inputs(seed: int = 0) -> dict:
    key = jax.random.key(seed)
    ks = jax.random.split(key, 8)
    x = jax.random.randint(ks[0], (N,), 0, NODE_VOCAB)
    edge_attr = jax.random.randint(ks[1], (E,), 0, EDGE_VOCAB)
    pe = jax.random.normal(ks[2], (N, PE_DIM), dtype=jnp.float32)
    edge_index = jax.random.randint(ks[3], (2, E), 0, N)
    node_table = jax.random.normal(ks[4], (NODE_VOCAB, HIDDEN), dtype=jnp.float32) * 0.02
    edge_table = jax.random.normal(ks[5], (EDGE_VOCAB, HIDDEN), dtype=jnp.float32) * 0.02
    pe_W = jax.random.normal(ks[6], (PE_DIM, HIDDEN), dtype=jnp.float32) * (1.0 / np.sqrt(PE_DIM))
    pe_b = jnp.zeros((HIDDEN,), dtype=jnp.float32)
    return {
        "x": x,
        "edge_attr": edge_attr,
        "pe": pe,
        "edge_index": edge_index,
        "node_table": node_table,
        "edge_table": edge_table,
        "pe_W": pe_W,
        "pe_b": pe_b,
    }


def reference(x, edge_attr, pe, edge_index, node_table, edge_table, pe_W, pe_b):
    # discrete-edges branch of FeatureEncoder.forward
    x_emb = jnp.take(node_table, x, axis=0)            # nn.Embedding(100, hidden)
    e_emb = jnp.take(edge_table, edge_attr, axis=0)    # nn.Embedding(10, hidden)
    x_emb = x_emb + pe @ pe_W + pe_b                    # pe_encoder Linear(pe_dim, hidden)
    return (x_emb, e_emb)

if __name__ == "__main__":
    import jax
    _d = setup_inputs()
    print(jax.jit(kernel)(*tuple(_d.values())))

</pallas_src>

<mosaic_0001>
#map = affine_map<(d0, d1) -> (0, 0)>
#map1 = affine_map<(d0, d1) -> (0)>
module attributes {stable_mosaic.version = 14 : i64} {
  func.func @_edge_gather_body(%arg0: i32, %arg1: i32, %arg2: memref<10x128xf32, #tpu.memory_space<hbm>>, %arg3: memref<320000xi32, #tpu.memory_space<hbm>>, %arg4: memref<320000x128xf32, #tpu.memory_space<hbm>>, %arg5: memref<10000xi32, #tpu.memory_space<vmem>>, %arg6: memref<11x80x128xf32, #tpu.memory_space<vmem>>, %arg7: memref<10x128xf32, #tpu.memory_space<vmem_shared>>, %arg8: memref<!tpu.dma_semaphore, #tpu.memory_space<semaphore_mem>>, %arg9: memref<!tpu.dma_semaphore, #tpu.memory_space<semaphore_mem>>, %arg10: memref<!tpu.dma_semaphore, #tpu.memory_space<semaphore_mem>>, %arg11: memref<!tpu.dma_semaphore, #tpu.memory_space<semaphore_mem>>, %arg12: memref<!tpu.dma_semaphore, #tpu.memory_space<semaphore_mem>>, %arg13: memref<!tpu.dma_semaphore, #tpu.memory_space<semaphore_mem>>, %arg14: memref<!tpu.dma_semaphore, #tpu.memory_space<semaphore_mem>>, %arg15: memref<!tpu.dma_semaphore, #tpu.memory_space<semaphore_mem>>, %arg16: memref<!tpu.dma_semaphore, #tpu.memory_space<semaphore_mem>>, %arg17: memref<!tpu.dma_semaphore, #tpu.memory_space<semaphore_mem>>, %arg18: memref<!tpu.dma_semaphore, #tpu.memory_space<semaphore_mem>>) attributes {dimension_semantics = [#tpu.dimension_semantics<core_parallel>, #tpu.dimension_semantics<subcore_parallel>], iteration_bounds = array<i64: 2, 16>, scalar_prefetch = 0 : i64, scratch_operands = 14 : i64, tpu.core_type = #tpu.core_type<sc_vector_subcore>, window_params = [{transform_indices = #map}, {transform_indices = #map1}, {transform_indices = #map}]} {
    %mul3A = arith.constant 2 : i32
    %mul3A_0 = arith.muli %arg1, %mul3A : i32
    %add3A = arith.addi %mul3A_0, %arg0 : i32
    %mul3A_1 = arith.constant 10000 : i32
    %mul3A_2 = arith.muli %add3A, %mul3A_1 : i32
    %eq3A = arith.constant 0 : i32
    %eq3A_3 = arith.cmpi eq, %arg1, %eq3A : i32
    %convert_element_type3A = arith.extui %eq3A_3 : i1 to i32
    %cond3A = arith.constant 0 : i32
    %cond3A_4 = arith.cmpi ne, %convert_element_type3A, %cond3A : i32
    scf.if %cond3A_4 {
      "tpu.region"() ({
        %run_scoped3A_169 = tpu.sem_alloc : memref<!tpu.dma_semaphore, #tpu.memory_space<semaphore_mem>>
        tpu.enqueue_dma source(%arg2 : memref<10x128xf32, #tpu.memory_space<hbm>>) target(%arg7 : memref<10x128xf32, #tpu.memory_space<vmem_shared>>) target_semaphore(%run_scoped3A_169 : memref<!tpu.dma_semaphore, #tpu.memory_space<semaphore_mem>>)
        tpu.wait_dma2 semaphore(%run_scoped3A_169 : memref<!tpu.dma_semaphore, #tpu.memory_space<semaphore_mem>>) src(%arg2 : memref<10x128xf32, #tpu.memory_space<hbm>>) dst(%arg7 : memref<10x128xf32, #tpu.memory_space<vmem_shared>>)
        tpu.yield
      }) : () -> ()
    } else {
    }
    "tpu.region"() ({
      %run_scoped3A_169 = tpu.sem_alloc : memref<!tpu.dma_semaphore, #tpu.memory_space<semaphore_mem>>
      %dma_start3A_170 = tpu.memref_slice %arg3[%mul3A_2] : memref<320000xi32, #tpu.memory_space<hbm>> -> memref<10000xi32, #tpu.memory_space<hbm>>
      %dma_start3A_171 = tpu.memref_slice %arg3[%mul3A_2] : memref<320000xi32, #tpu.memory_space<hbm>> -> memref<10000xi32, #tpu.memory_space<hbm>>
      tpu.enqueue_dma source(%dma_start3A_171 : memref<10000xi32, #tpu.memory_space<hbm>>) target(%arg5 : memref<10000xi32, #tpu.memory_space<vmem>>) target_semaphore(%run_scoped3A_169 : memref<!tpu.dma_semaphore, #tpu.memory_space<semaphore_mem>>)
      %dma_wait3A_172 = tpu.memref_slice %arg3[%mul3A_2] : memref<320000xi32, #tpu.memory_space<hbm>> -> memref<10000xi32, #tpu.memory_space<hbm>>
      %dma_wait3A_173 = tpu.memref_slice %arg3[%mul3A_2] : memref<320000xi32, #tpu.memory_space<hbm>> -> memref<10000xi32, #tpu.memory_space<hbm>>
      tpu.wait_dma2 semaphore(%run_scoped3A_169 : memref<!tpu.dma_semaphore, #tpu.memory_space<semaphore_mem>>) src(%dma_wait3A_173 : memref<10000xi32, #tpu.memory_space<hbm>>) dst(%arg5 : memref<10000xi32, #tpu.memory_space<vmem>>)
      tpu.yield
    }) : () -> ()
    %barrier3A = arith.constant 0 : index
    tpu.barrier barrier_id(%barrier3A)
    %dma_start3A = arith.constant 0 : i32
    %dma_start3A_5 = arith.constant 0 : i32
    %dma_start3A_6 = arith.constant 0 : i32
    %dma_start3A_7 = tpu.memref_slice %arg6[%dma_start3A, %dma_start3A_5, %dma_start3A_6] : memref<11x80x128xf32, #tpu.memory_space<vmem>> -> memref<1x80x128xf32, #tpu.memory_space<vmem>>
    %dma_start3A_8 = tpu.memref_squeeze %dma_start3A_7 : memref<1x80x128xf32, #tpu.memory_space<vmem>> -> memref<80x128xf32, #tpu.memory_space<vmem>>
    %dma_start3A_9 = arith.constant 0 : i32
    %dma_start3A_10 = tpu.memref_slice %arg5[%dma_start3A_9] : memref<10000xi32, #tpu.memory_space<vmem>> -> memref<80xi32, #tpu.memory_space<vmem>>
    %dma_start3A_11 = arith.constant 0 : i32
    %dma_start3A_12 = arith.constant 0 : i32
    %dma_start3A_13 = tpu.memref_slice %arg7[%dma_start3A_11, %dma_start3A_12] : memref<10x128xf32, #tpu.memory_space<vmem_shared>> -> memref<10x128xf32, #tpu.memory_space<vmem_shared>>
    tpu.enqueue_indirect_dma source(%dma_start3A_13 : memref<10x128xf32, #tpu.memory_space<vmem_shared>>) target(%dma_start3A_8 : memref<80x128xf32, #tpu.memory_space<vmem>>) offsets(%dma_start3A_10 : memref<80xi32, #tpu.memory_space<vmem>>) semaphore(%arg8 : memref<!tpu.dma_semaphore, #tpu.memory_space<semaphore_mem>>)
    %dma_start3A_14 = arith.constant 1 : i32
    %dma_start3A_15 = arith.constant 0 : i32
    %dma_start3A_16 = arith.constant 0 : i32
    %dma_start3A_17 = tpu.memref_slice %arg6[%dma_start3A_14, %dma_start3A_15, %dma_start3A_16] : memref<11x80x128xf32, #tpu.memory_space<vmem>> -> memref<1x80x128xf32, #tpu.memory_space<vmem>>
    %dma_start3A_18 = tpu.memref_squeeze %dma_start3A_17 : memref<1x80x128xf32, #tpu.memory_space<vmem>> -> memref<80x128xf32, #tpu.memory_space<vmem>>
    %dma_start3A_19 = arith.constant 80 : i32
    %dma_start3A_20 = tpu.memref_slice %arg5[%dma_start3A_19] : memref<10000xi32, #tpu.memory_space<vmem>> -> memref<80xi32, #tpu.memory_space<vmem>>
    %dma_start3A_21 = arith.constant 0 : i32
    %dma_start3A_22 = arith.constant 0 : i32
    %dma_start3A_23 = tpu.memref_slice %arg7[%dma_start3A_21, %dma_start3A_22] : memref<10x128xf32, #tpu.memory_space<vmem_shared>> -> memref<10x128xf32, #tpu.memory_space<vmem_shared>>
    tpu.enqueue_indirect_dma source(%dma_start3A_23 : memref<10x128xf32, #tpu.memory_space<vmem_shared>>) target(%dma_start3A_18 : memref<80x128xf32, #tpu.memory_space<vmem>>) offsets(%dma_start3A_20 : memref<80xi32, #tpu.memory_space<vmem>>) semaphore(%arg9 : memref<!tpu.dma_semaphore, #tpu.memory_space<semaphore_mem>>)
    %dma_start3A_24 = arith.constant 2 : i32
    %dma_start3A_25 = arith.constant 0 : i32
    %dma_start3A_26 = arith.constant 0 : i32
    %dma_start3A_27 = tpu.memref_slice %arg6[%dma_start3A_24, %dma_start3A_25, %dma_start3A_26] : memref<11x80x128xf32, #tpu.memory_space<vmem>> -> memref<1x80x128xf32, #tpu.memory_space<vmem>>
    %dma_start3A_28 = tpu.memref_squeeze %dma_start3A_27 : memref<1x80x128xf32, #tpu.memory_space<vmem>> -> memref<80x128xf32, #tpu.memory_space<vmem>>
    %dma_start3A_29 = arith.constant 160 : i32
    %dma_start3A_30 = tpu.memref_slice %arg5[%dma_start3A_29] : memref<10000xi32, #tpu.memory_space<vmem>> -> memref<80xi32, #tpu.memory_space<vmem>>
    %dma_start3A_31 = arith.constant 0 : i32
    %dma_start3A_32 = arith.constant 0 : i32
    %dma_start3A_33 = tpu.memref_slice %arg7[%dma_start3A_31, %dma_start3A_32] : memref<10x128xf32, #tpu.memory_space<vmem_shared>> -> memref<10x128xf32, #tpu.memory_space<vmem_shared>>
    tpu.enqueue_indirect_dma source(%dma_start3A_33 : memref<10x128xf32, #tpu.memory_space<vmem_shared>>) target(%dma_start3A_28 : memref<80x128xf32, #tpu.memory_space<vmem>>) offsets(%dma_start3A_30 : memref<80xi32, #tpu.memory_space<vmem>>) semaphore(%arg10 : memref<!tpu.dma_semaphore, #tpu.memory_space<semaphore_mem>>)
    %dma_start3A_34 = arith.constant 3 : i32
    %dma_start3A_35 = arith.constant 0 : i32
    %dma_start3A_36 = arith.constant 0 : i32
    %dma_start3A_37 = tpu.memref_slice %arg6[%dma_start3A_34, %dma_start3A_35, %dma_start3A_36] : memref<11x80x128xf32, #tpu.memory_space<vmem>> -> memref<1x80x128xf32, #tpu.memory_space<vmem>>
    %dma_start3A_38 = tpu.memref_squeeze %dma_start3A_37 : memref<1x80x128xf32, #tpu.memory_space<vmem>> -> memref<80x128xf32, #tpu.memory_space<vmem>>
    %dma_start3A_39 = arith.constant 240 : i32
    %dma_start3A_40 = tpu.memref_slice %arg5[%dma_start3A_39] : memref<10000xi32, #tpu.memory_space<vmem>> -> memref<80xi32, #tpu.memory_space<vmem>>
    %dma_start3A_41 = arith.constant 0 : i32
    %dma_start3A_42 = arith.constant 0 : i32
    %dma_start3A_43 = tpu.memref_slice %arg7[%dma_start3A_41, %dma_start3A_42] : memref<10x128xf32, #tpu.memory_space<vmem_shared>> -> memref<10x128xf32, #tpu.memory_space<vmem_shared>>
    tpu.enqueue_indirect_dma source(%dma_start3A_43 : memref<10x128xf32, #tpu.memory_space<vmem_shared>>) target(%dma_start3A_38 : memref<80x128xf32, #tpu.memory_space<vmem>>) offsets(%dma_start3A_40 : memref<80xi32, #tpu.memory_space<vmem>>) semaphore(%arg11 : memref<!tpu.dma_semaphore, #tpu.memory_space<semaphore_mem>>)
    %dma_start3A_44 = arith.constant 4 : i32
    %dma_start3A_45 = arith.constant 0 : i32
    %dma_start3A_46 = arith.constant 0 : i32
    %dma_start3A_47 = tpu.memref_slice %arg6[%dma_start3A_44, %dma_start3A_45, %dma_start3A_46] : memref<11x80x128xf32, #tpu.memory_space<vmem>> -> memref<1x80x128xf32, #tpu.memory_space<vmem>>
    %dma_start3A_48 = tpu.memref_squeeze %dma_start3A_47 : memref<1x80x128xf32, #tpu.memory_space<vmem>> -> memref<80x128xf32, #tpu.memory_space<vmem>>
    %dma_start3A_49 = arith.constant 320 : i32
    %dma_start3A_50 = tpu.memref_slice %arg5[%dma_start3A_49] : memref<10000xi32, #tpu.memory_space<vmem>> -> memref<80xi32, #tpu.memory_space<vmem>>
    %dma_start3A_51 = arith.constant 0 : i32
    %dma_start3A_52 = arith.constant 0 : i32
    %dma_start3A_53 = tpu.memref_slice %arg7[%dma_start3A_51, %dma_start3A_52] : memref<10x128xf32, #tpu.memory_space<vmem_shared>> -> memref<10x128xf32, #tpu.memory_space<vmem_shared>>
    tpu.enqueue_indirect_dma source(%dma_start3A_53 : memref<10x128xf32, #tpu.memory_space<vmem_shared>>) target(%dma_start3A_48 : memref<80x128xf32, #tpu.memory_space<vmem>>) offsets(%dma_start3A_50 : memref<80xi32, #tpu.memory_space<vmem>>) semaphore(%arg12 : memref<!tpu.dma_semaphore, #tpu.memory_space<semaphore_mem>>)
    %dma_start3A_54 = arith.constant 5 : i32
    %dma_start3A_55 = arith.constant 0 : i32
    %dma_start3A_56 = arith.constant 0 : i32
    %dma_start3A_57 = tpu.memref_slice %arg6[%dma_start3A_54, %dma_start3A_55, %dma_start3A_56] : memref<11x80x128xf32, #tpu.memory_space<vmem>> -> memref<1x80x128xf32, #tpu.memory_space<vmem>>
    %dma_start3A_58 = tpu.memref_squeeze %dma_start3A_57 : memref<1x80x128xf32, #tpu.memory_space<vmem>> -> memref<80x128xf32, #tpu.memory_space<vmem>>
    %dma_start3A_59 = arith.constant 400 : i32
    %dma_start3A_60 = tpu.memref_slice %arg5[%dma_start3A_59] : memref<10000xi32, #tpu.memory_space<vmem>> -> memref<80xi32, #tpu.memory_space<vmem>>
    %dma_start3A_61 = arith.constant 0 : i32
    %dma_start3A_62 = arith.constant 0 : i32
    %dma_start3A_63 = tpu.memref_slice %arg7[%dma_start3A_61, %dma_start3A_62] : memref<10x128xf32, #tpu.memory_space<vmem_shared>> -> memref<10x128xf32, #tpu.memory_space<vmem_shared>>
    tpu.enqueue_indirect_dma source(%dma_start3A_63 : memref<10x128xf32, #tpu.memory_space<vmem_shared>>) target(%dma_start3A_58 : memref<80x128xf32, #tpu.memory_space<vmem>>) offsets(%dma_start3A_60 : memref<80xi32, #tpu.memory_space<vmem>>) semaphore(%arg13 : memref<!tpu.dma_semaphore, #tpu.memory_space<semaphore_mem>>)
    %dma_start3A_64 = arith.constant 6 : i32
    %dma_start3A_65 = arith.constant 0 : i32
    %dma_start3A_66 = arith.constant 0 : i32
    %dma_start3A_67 = tpu.memref_slice %arg6[%dma_start3A_64, %dma_start3A_65, %dma_start3A_66] : memref<11x80x128xf32, #tpu.memory_space<vmem>> -> memref<1x80x128xf32, #tpu.memory_space<vmem>>
    %dma_start3A_68 = tpu.memref_squeeze %dma_start3A_67 : memref<1x80x128xf32, #tpu.memory_space<vmem>> -> memref<80x128xf32, #tpu.memory_space<vmem>>
    %dma_start3A_69 = arith.constant 480 : i32
    %dma_start3A_70 = tpu.memref_slice %arg5[%dma_start3A_69] : memref<10000xi32, #tpu.memory_space<vmem>> -> memref<80xi32, #tpu.memory_space<vmem>>
    %dma_start3A_71 = arith.constant 0 : i32
    %dma_start3A_72 = arith.constant 0 : i32
    %dma_start3A_73 = tpu.memref_slice %arg7[%dma_start3A_71, %dma_start3A_72] : memref<10x128xf32, #tpu.memory_space<vmem_shared>> -> memref<10x128xf32, #tpu.memory_space<vmem_shared>>
    tpu.enqueue_indirect_dma source(%dma_start3A_73 : memref<10x128xf32, #tpu.memory_space<vmem_shared>>) target(%dma_start3A_68 : memref<80x128xf32, #tpu.memory_space<vmem>>) offsets(%dma_start3A_70 : memref<80xi32, #tpu.memory_space<vmem>>) semaphore(%arg14 : memref<!tpu.dma_semaphore, #tpu.memory_space<semaphore_mem>>)
    %dma_start3A_74 = arith.constant 7 : i32
    %dma_start3A_75 = arith.constant 0 : i32
    %dma_start3A_76 = arith.constant 0 : i32
    %dma_start3A_77 = tpu.memref_slice %arg6[%dma_start3A_74, %dma_start3A_75, %dma_start3A_76] : memref<11x80x128xf32, #tpu.memory_space<vmem>> -> memref<1x80x128xf32, #tpu.memory_space<vmem>>
    %dma_start3A_78 = tpu.memref_squeeze %dma_start3A_77 : memref<1x80x128xf32, #tpu.memory_space<vmem>> -> memref<80x128xf32, #tpu.memory_space<vmem>>
    %dma_start3A_79 = arith.constant 560 : i32
    %dma_start3A_80 = tpu.memref_slice %arg5[%dma_start3A_79] : memref<10000xi32, #tpu.memory_space<vmem>> -> memref<80xi32, #tpu.memory_space<vmem>>
    %dma_start3A_81 = arith.constant 0 : i32
    %dma_start3A_82 = arith.constant 0 : i32
    %dma_start3A_83 = tpu.memref_slice %arg7[%dma_start3A_81, %dma_start3A_82] : memref<10x128xf32, #tpu.memory_space<vmem_shared>> -> memref<10x128xf32, #tpu.memory_space<vmem_shared>>
    tpu.enqueue_indirect_dma source(%dma_start3A_83 : memref<10x128xf32, #tpu.memory_space<vmem_shared>>) target(%dma_start3A_78 : memref<80x128xf32, #tpu.memory_space<vmem>>) offsets(%dma_start3A_80 : memref<80xi32, #tpu.memory_space<vmem>>) semaphore(%arg15 : memref<!tpu.dma_semaphore, #tpu.memory_space<semaphore_mem>>)
    %dma_start3A_84 = arith.constant 8 : i32
    %dma_start3A_85 = arith.constant 0 : i32
    %dma_start3A_86 = arith.constant 0 : i32
    %dma_start3A_87 = tpu.memref_slice %arg6[%dma_start3A_84, %dma_start3A_85, %dma_start3A_86] : memref<11x80x128xf32, #tpu.memory_space<vmem>> -> memref<1x80x128xf32, #tpu.memory_space<vmem>>
    %dma_start3A_88 = tpu.memref_squeeze %dma_start3A_87 : memref<1x80x128xf32, #tpu.memory_space<vmem>> -> memref<80x128xf32, #tpu.memory_space<vmem>>
    %dma_start3A_89 = arith.constant 640 : i32
    %dma_start3A_90 = tpu.memref_slice %arg5[%dma_start3A_89] : memref<10000xi32, #tpu.memory_space<vmem>> -> memref<80xi32, #tpu.memory_space<vmem>>
    %dma_start3A_91 = arith.constant 0 : i32
    %dma_start3A_92 = arith.constant 0 : i32
    %dma_start3A_93 = tpu.memref_slice %arg7[%dma_start3A_91, %dma_start3A_92] : memref<10x128xf32, #tpu.memory_space<vmem_shared>> -> memref<10x128xf32, #tpu.memory_space<vmem_shared>>
    tpu.enqueue_indirect_dma source(%dma_start3A_93 : memref<10x128xf32, #tpu.memory_space<vmem_shared>>) target(%dma_start3A_88 : memref<80x128xf32, #tpu.memory_space<vmem>>) offsets(%dma_start3A_90 : memref<80xi32, #tpu.memory_space<vmem>>) semaphore(%arg16 : memref<!tpu.dma_semaphore, #tpu.memory_space<semaphore_mem>>)
    %dma_start3A_94 = arith.constant 9 : i32
    %dma_start3A_95 = arith.constant 0 : i32
    %dma_start3A_96 = arith.constant 0 : i32
    %dma_start3A_97 = tpu.memref_slice %arg6[%dma_start3A_94, %dma_start3A_95, %dma_start3A_96] : memref<11x80x128xf32, #tpu.memory_space<vmem>> -> memref<1x80x128xf32, #tpu.memory_space<vmem>>
    %dma_start3A_98 = tpu.memref_squeeze %dma_start3A_97 : memref<1x80x128xf32, #tpu.memory_space<vmem>> -> memref<80x128xf32, #tpu.memory_space<vmem>>
    %dma_start3A_99 = arith.constant 720 : i32
    %dma_start3A_100 = tpu.memref_slice %arg5[%dma_start3A_99] : memref<10000xi32, #tpu.memory_space<vmem>> -> memref<80xi32, #tpu.memory_space<vmem>>
    %dma_start3A_101 = arith.constant 0 : i32
    %dma_start3A_102 = arith.constant 0 : i32
    %dma_start3A_103 = tpu.memref_slice %arg7[%dma_start3A_101, %dma_start3A_102] : memref<10x128xf32, #tpu.memory_space<vmem_shared>> -> memref<10x128xf32, #tpu.memory_space<vmem_shared>>
    tpu.enqueue_indirect_dma source(%dma_start3A_103 : memref<10x128xf32, #tpu.memory_space<vmem_shared>>) target(%dma_start3A_98 : memref<80x128xf32, #tpu.memory_space<vmem>>) offsets(%dma_start3A_100 : memref<80xi32, #tpu.memory_space<vmem>>) semaphore(%arg17 : memref<!tpu.dma_semaphore, #tpu.memory_space<semaphore_mem>>)
    %dma_start3A_104 = arith.constant 10 : i32
    %dma_start3A_105 = arith.constant 0 : i32
    %dma_start3A_106 = arith.constant 0 : i32
    %dma_start3A_107 = tpu.memref_slice %arg6[%dma_start3A_104, %dma_start3A_105, %dma_start3A_106] : memref<11x80x128xf32, #tpu.memory_space<vmem>> -> memref<1x80x128xf32, #tpu.memory_space<vmem>>
    %dma_start3A_108 = tpu.memref_squeeze %dma_start3A_107 : memref<1x80x128xf32, #tpu.memory_space<vmem>> -> memref<80x128xf32, #tpu.memory_space<vmem>>
    %dma_start3A_109 = arith.constant 800 : i32
    %dma_start3A_110 = tpu.memref_slice %arg5[%dma_start3A_109] : memref<10000xi32, #tpu.memory_space<vmem>> -> memref<80xi32, #tpu.memory_space<vmem>>
    %dma_start3A_111 = arith.constant 0 : i32
    %dma_start3A_112 = arith.constant 0 : i32
    %dma_start3A_113 = tpu.memref_slice %arg7[%dma_start3A_111, %dma_start3A_112] : memref<10x128xf32, #tpu.memory_space<vmem_shared>> -> memref<10x128xf32, #tpu.memory_space<vmem_shared>>
    tpu.enqueue_indirect_dma source(%dma_start3A_113 : memref<10x128xf32, #tpu.memory_space<vmem_shared>>) target(%dma_start3A_108 : memref<80x128xf32, #tpu.memory_space<vmem>>) offsets(%dma_start3A_110 : memref<80xi32, #tpu.memory_space<vmem>>) semaphore(%arg18 : memref<!tpu.dma_semaphore, #tpu.memory_space<semaphore_mem>>)
    %scan3A = arith.constant 0 : i32
    %scan3A_114 = arith.constant 0 : i32
    %scan3A_115 = arith.constant 11 : i32
    %scan3A_116 = arith.addi %scan3A_114, %scan3A_115 : i32
    %scan3A_117 = arith.constant 1 : i32
    scf.for %scan3A_169 = %scan3A_114 to %scan3A_116 step %scan3A_117  : i32 {
      %mul3A_170 = arith.constant 11 : i32
      %mul3A_171 = arith.muli %scan3A_169, %mul3A_170 : i32
      %add3A_172 = arith.constant 0 : i32
      %add3A_173 = arith.addi %mul3A_171, %add3A_172 : i32
      %mul3A_174 = arith.constant 80 : i32
      %mul3A_175 = arith.muli %add3A_173, %mul3A_174 : i32
      %dma_wait3A_176 = arith.constant 0 : i32
      %dma_wait3A_177 = arith.constant 0 : i32
      %dma_wait3A_178 = arith.constant 0 : i32
      %dma_wait3A_179 = tpu.memref_slice %arg6[%dma_wait3A_176, %dma_wait3A_177, %dma_wait3A_178] : memref<11x80x128xf32, #tpu.memory_space<vmem>> -> memref<1x80x128xf32, #tpu.memory_space<vmem>>
      %dma_wait3A_180 = tpu.memref_squeeze %dma_wait3A_179 : memref<1x80x128xf32, #tpu.memory_space<vmem>> -> memref<80x128xf32, #tpu.memory_space<vmem>>
      %dma_wait3A_181 = tpu.memref_slice %arg5[%mul3A_175] : memref<10000xi32, #tpu.memory_space<vmem>> -> memref<80xi32, #tpu.memory_space<vmem>>
      %dma_wait3A_182 = arith.constant 0 : i32
      %dma_wait3A_183 = arith.constant 0 : i32
      %dma_wait3A_184 = tpu.memref_slice %arg7[%dma_wait3A_182, %dma_wait3A_183] : memref<10x128xf32, #tpu.memory_space<vmem_shared>> -> memref<10x128xf32, #tpu.memory_space<vmem_shared>>
      tpu.wait_indirect_dma semaphore(%arg8 : memref<!tpu.dma_semaphore, #tpu.memory_space<semaphore_mem>>) src(%dma_wait3A_184 : memref<10x128xf32, #tpu.memory_space<vmem_shared>>) dst(%dma_wait3A_180 : memref<80x128xf32, #tpu.memory_space<vmem>>)
      %mul3A_185 = arith.constant 80 : i32
      %mul3A_186 = arith.muli %add3A_173, %mul3A_185 : i32
      %add3A_187 = arith.addi %mul3A_2, %mul3A_186 : i32
      %run_scoped3A_188 = arith.constant 0 : i32
      "tpu.region"() ({
        %run_scoped3A_435 = tpu.sem_alloc : memref<!tpu.dma_semaphore, #tpu.memory_space<semaphore_mem>>
        %dma_start3A_436 = arith.constant 0 : i32
        %dma_start3A_437 = arith.constant 0 : i32
        %dma_start3A_438 = tpu.memref_slice %arg6[%run_scoped3A_188, %dma_start3A_436, %dma_start3A_437] : memref<11x80x128xf32, #tpu.memory_space<vmem>> -> memref<1x80x128xf32, #tpu.memory_space<vmem>>
        %dma_start3A_439 = tpu.memref_squeeze %dma_start3A_438 : memref<1x80x128xf32, #tpu.memory_space<vmem>> -> memref<80x128xf32, #tpu.memory_space<vmem>>
        %dma_start3A_440 = arith.constant 0 : i32
        %dma_start3A_441 = tpu.memref_slice %arg4[%add3A_187, %dma_start3A_440] : memref<320000x128xf32, #tpu.memory_space<hbm>> -> memref<80x128xf32, #tpu.memory_space<hbm>>
        %dma_start3A_442 = arith.constant 0 : i32
        %dma_start3A_443 = tpu.memref_slice %arg4[%add3A_187, %dma_start3A_442] : memref<320000x128xf32, #tpu.memory_space<hbm>> -> memref<80x128xf32, #tpu.memory_space<hbm>>
        %dma_start3A_444 = arith.constant 0 : i32
        %dma_start3A_445 = arith.constant 0 : i32
        %dma_start3A_446 = tpu.memref_slice %arg6[%run_scoped3A_188, %dma_start3A_444, %dma_start3A_445] : memref<11x80x128xf32, #tpu.memory_space<vmem>> -> memref<1x80x128xf32, #tpu.memory_space<vmem>>
        %dma_start3A_447 = tpu.memref_squeeze %dma_start3A_446 : memref<1x80x128xf32, #tpu.memory_space<vmem>> -> memref<80x128xf32, #tpu.memory_space<vmem>>
        tpu.enqueue_dma source(%dma_start3A_447 : memref<80x128xf32, #tpu.memory_space<vmem>>) target(%dma_start3A_443 : memref<80x128xf32, #tpu.memory_space<hbm>>) target_semaphore(%run_scoped3A_435 : memref<!tpu.dma_semaphore, #tpu.memory_space<semaphore_mem>>)
        %dma_wait3A_448 = arith.constant 0 : i32
        %dma_wait3A_449 = arith.constant 0 : i32
        %dma_wait3A_450 = tpu.memref_slice %arg6[%run_scoped3A_188, %dma_wait3A_448, %dma_wait3A_449] : memref<11x80x128xf32, #tpu.memory_space<vmem>> -> memref<1x80x128xf32, #tpu.memory_space<vmem>>
        %dma_wait3A_451 = tpu.memref_squeeze %dma_wait3A_450 : memref<1x80x128xf32, #tpu.memory_space<vmem>> -> memref<80x128xf32, #tpu.memory_space<vmem>>
        %dma_wait3A_452 = arith.constant 0 : i32
        %dma_wait3A_453 = tpu.memref_slice %arg4[%add3A_187, %dma_wait3A_452] : memref<320000x128xf32, #tpu.memory_space<hbm>> -> memref<80x128xf32, #tpu.memory_space<hbm>>
        %dma_wait3A_454 = arith.constant 0 : i32
        %dma_wait3A_455 = tpu.memref_slice %arg4[%add3A_187, %dma_wait3A_454] : memref<320000x128xf32, #tpu.memory_space<hbm>> -> memref<80x128xf32, #tpu.memory_space<hbm>>
        %dma_wait3A_456 = arith.constant 0 : i32
        %dma_wait3A_457 = arith.constant 0 : i32
        %dma_wait3A_458 = tpu.memref_slice %arg6[%run_scoped3A_188, %dma_wait3A_456, %dma_wait3A_457] : memref<11x80x128xf32, #tpu.memory_space<vmem>> -> memref<1x80x128xf32, #tpu.memory_space<vmem>>
        %dma_wait3A_459 = tpu.memref_squeeze %dma_wait3A_458 : memref<1x80x128xf32, #tpu.memory_space<vmem>> -> memref<80x128xf32, #tpu.memory_space<vmem>>
        tpu.wait_dma2 semaphore(%run_scoped3A_435 : memref<!tpu.dma_semaphore, #tpu.memory_space<semaphore_mem>>) src(%dma_wait3A_459 : memref<80x128xf32, #tpu.memory_space<vmem>>) dst(%dma_wait3A_455 : memref<80x128xf32, #tpu.memory_space<hbm>>)
        tpu.yield
      }) : () -> ()
      %add3A_189 = arith.constant 11 : i32
      %add3A_190 = arith.addi %add3A_173, %add3A_189 : i32
      %lt3A = arith.constant 125 : i32
      %lt3A_191 = arith.cmpi slt, %add3A_190, %lt3A : i32
      %convert_element_type3A_192 = arith.extui %lt3A_191 : i1 to i32
      %cond3A_193 = arith.constant 0 : i32
      %cond3A_194 = arith.cmpi ne, %convert_element_type3A_192, %cond3A_193 : i32
      scf.if %cond3A_194 {
        %add3A_435 = arith.constant 11 : i32
        %add3A_436 = arith.addi %add3A_173, %add3A_435 : i32
        %mul3A_437 = arith.constant 80 : i32
        %mul3A_438 = arith.muli %add3A_436, %mul3A_437 : i32
        %dma_start3A_439 = arith.constant 0 : i32
        %dma_start3A_440 = arith.constant 0 : i32
        %dma_start3A_441 = arith.constant 0 : i32
        %dma_start3A_442 = tpu.memref_slice %arg6[%dma_start3A_439, %dma_start3A_440, %dma_start3A_441] : memref<11x80x128xf32, #tpu.memory_space<vmem>> -> memref<1x80x128xf32, #tpu.memory_space<vmem>>
        %dma_start3A_443 = tpu.memref_squeeze %dma_start3A_442 : memref<1x80x128xf32, #tpu.memory_space<vmem>> -> memref<80x128xf32, #tpu.memory_space<vmem>>
        %dma_start3A_444 = tpu.memref_slice %arg5[%mul3A_438] : memref<10000xi32, #tpu.memory_space<vmem>> -> memref<80xi32, #tpu.memory_space<vmem>>
        %dma_start3A_445 = arith.constant 0 : i32
        %dma_start3A_446 = arith.constant 0 : i32
        %dma_start3A_447 = tpu.memref_slice %arg7[%dma_start3A_445, %dma_start3A_446] : memref<10x128xf32, #tpu.memory_space<vmem_shared>> -> memref<10x128xf32, #tpu.memory_space<vmem_shared>>
        tpu.enqueue_indirect_dma source(%dma_start3A_447 : memref<10x128xf32, #tpu.memory_space<vmem_shared>>) target(%dma_start3A_443 : memref<80x128xf32, #tpu.memory_space<vmem>>) offsets(%dma_start3A_444 : memref<80xi32, #tpu.memory_space<vmem>>) semaphore(%arg8 : memref<!tpu.dma_semaphore, #tpu.memory_space<semaphore_mem>>)
      } else {
      }
      %add3A_195 = arith.constant 1 : i32
      %add3A_196 = arith.addi %mul3A_171, %add3A_195 : i32
      %mul3A_197 = arith.constant 80 : i32
      %mul3A_198 = arith.muli %add3A_196, %mul3A_197 : i32
      %dma_wait3A_199 = arith.constant 1 : i32
      %dma_wait3A_200 = arith.constant 0 : i32
      %dma_wait3A_201 = arith.constant 0 : i32
      %dma_wait3A_202 = tpu.memref_slice %arg6[%dma_wait3A_199, %dma_wait3A_200, %dma_wait3A_201] : memref<11x80x128xf32, #tpu.memory_space<vmem>> -> memref<1x80x128xf32, #tpu.memory_space<vmem>>
      %dma_wait3A_203 = tpu.memref_squeeze %dma_wait3A_202 : memref<1x80x128xf32, #tpu.memory_space<vmem>> -> memref<80x128xf32, #tpu.memory_space<vmem>>
      %dma_wait3A_204 = tpu.memref_slice %arg5[%mul3A_198] : memref<10000xi32, #tpu.memory_space<vmem>> -> memref<80xi32, #tpu.memory_space<vmem>>
      %dma_wait3A_205 = arith.constant 0 : i32
      %dma_wait3A_206 = arith.constant 0 : i32
      %dma_wait3A_207 = tpu.memref_slice %arg7[%dma_wait3A_205, %dma_wait3A_206] : memref<10x128xf32, #tpu.memory_space<vmem_shared>> -> memref<10x128xf32, #tpu.memory_space<vmem_shared>>
      tpu.wait_indirect_dma semaphore(%arg9 : memref<!tpu.dma_semaphore, #tpu.memory_space<semaphore_mem>>) src(%dma_wait3A_207 : memref<10x128xf32, #tpu.memory_space<vmem_shared>>) dst(%dma_wait3A_203 : memref<80x128xf32, #tpu.memory_space<vmem>>)
      %mul3A_208 = arith.constant 80 : i32
      %mul3A_209 = arith.muli %add3A_196, %mul3A_208 : i32
      %add3A_210 = arith.addi %mul3A_2, %mul3A_209 : i32
      %run_scoped3A_211 = arith.constant 1 : i32
      "tpu.region"() ({
        %run_scoped3A_435 = tpu.sem_alloc : memref<!tpu.dma_semaphore, #tpu.memory_space<semaphore_mem>>
        %dma_start3A_436 = arith.constant 0 : i32
        %dma_start3A_437 = arith.constant 0 : i32
        %dma_start3A_438 = tpu.memref_slice %arg6[%run_scoped3A_211, %dma_start3A_436, %dma_start3A_437] : memref<11x80x128xf32, #tpu.memory_space<vmem>> -> memref<1x80x128xf32, #tpu.memory_space<vmem>>
        %dma_start3A_439 = tpu.memref_squeeze %dma_start3A_438 : memref<1x80x128xf32, #tpu.memory_space<vmem>> -> memref<80x128xf32, #tpu.memory_space<vmem>>
        %dma_start3A_440 = arith.constant 0 : i32
        %dma_start3A_441 = tpu.memref_slice %arg4[%add3A_210, %dma_start3A_440] : memref<320000x128xf32, #tpu.memory_space<hbm>> -> memref<80x128xf32, #tpu.memory_space<hbm>>
        %dma_start3A_442 = arith.constant 0 : i32
        %dma_start3A_443 = tpu.memref_slice %arg4[%add3A_210, %dma_start3A_442] : memref<320000x128xf32, #tpu.memory_space<hbm>> -> memref<80x128xf32, #tpu.memory_space<hbm>>
        %dma_start3A_444 = arith.constant 0 : i32
        %dma_start3A_445 = arith.constant 0 : i32
        %dma_start3A_446 = tpu.memref_slice %arg6[%run_scoped3A_211, %dma_start3A_444, %dma_start3A_445] : memref<11x80x128xf32, #tpu.memory_space<vmem>> -> memref<1x80x128xf32, #tpu.memory_space<vmem>>
        %dma_start3A_447 = tpu.memref_squeeze %dma_start3A_446 : memref<1x80x128xf32, #tpu.memory_space<vmem>> -> memref<80x128xf32, #tpu.memory_space<vmem>>
        tpu.enqueue_dma source(%dma_start3A_447 : memref<80x128xf32, #tpu.memory_space<vmem>>) target(%dma_start3A_443 : memref<80x128xf32, #tpu.memory_space<hbm>>) target_semaphore(%run_scoped3A_435 : memref<!tpu.dma_semaphore, #tpu.memory_space<semaphore_mem>>)
        %dma_wait3A_448 = arith.constant 0 : i32
        %dma_wait3A_449 = arith.constant 0 : i32
        %dma_wait3A_450 = tpu.memref_slice %arg6[%run_scoped3A_211, %dma_wait3A_448, %dma_wait3A_449] : memref<11x80x128xf32, #tpu.memory_space<vmem>> -> memref<1x80x128xf32, #tpu.memory_space<vmem>>
        %dma_wait3A_451 = tpu.memref_squeeze %dma_wait3A_450 : memref<1x80x128xf32, #tpu.memory_space<vmem>> -> memref<80x128xf32, #tpu.memory_space<vmem>>
        %dma_wait3A_452 = arith.constant 0 : i32
        %dma_wait3A_453 = tpu.memref_slice %arg4[%add3A_210, %dma_wait3A_452] : memref<320000x128xf32, #tpu.memory_space<hbm>> -> memref<80x128xf32, #tpu.memory_space<hbm>>
        %dma_wait3A_454 = arith.constant 0 : i32
        %dma_wait3A_455 = tpu.memref_slice %arg4[%add3A_210, %dma_wait3A_454] : memref<320000x128xf32, #tpu.memory_space<hbm>> -> memref<80x128xf32, #tpu.memory_space<hbm>>
        %dma_wait3A_456 = arith.constant 0 : i32
        %dma_wait3A_457 = arith.constant 0 : i32
        %dma_wait3A_458 = tpu.memref_slice %arg6[%run_scoped3A_211, %dma_wait3A_456, %dma_wait3A_457] : memref<11x80x128xf32, #tpu.memory_space<vmem>> -> memref<1x80x128xf32, #tpu.memory_space<vmem>>
        %dma_wait3A_459 = tpu.memref_squeeze %dma_wait3A_458 : memref<1x80x128xf32, #tpu.memory_space<vmem>> -> memref<80x128xf32, #tpu.memory_space<vmem>>
        tpu.wait_dma2 semaphore(%run_scoped3A_435 : memref<!tpu.dma_semaphore, #tpu.memory_space<semaphore_mem>>) src(%dma_wait3A_459 : memref<80x128xf32, #tpu.memory_space<vmem>>) dst(%dma_wait3A_455 : memref<80x128xf32, #tpu.memory_space<hbm>>)
        tpu.yield
      }) : () -> ()
      %add3A_212 = arith.constant 11 : i32
      %add3A_213 = arith.addi %add3A_196, %add3A_212 : i32
      %lt3A_214 = arith.constant 125 : i32
      %lt3A_215 = arith.cmpi slt, %add3A_213, %lt3A_214 : i32
      %convert_element_type3A_216 = arith.extui %lt3A_215 : i1 to i32
      %cond3A_217 = arith.constant 0 : i32
      %cond3A_218 = arith.cmpi ne, %convert_element_type3A_216, %cond3A_217 : i32
      scf.if %cond3A_218 {
        %add3A_435 = arith.constant 11 : i32
        %add3A_436 = arith.addi %add3A_196, %add3A_435 : i32
        %mul3A_437 = arith.constant 80 : i32
        %mul3A_438 = arith.muli %add3A_436, %mul3A_437 : i32
        %dma_start3A_439 = arith.constant 1 : i32
        %dma_start3A_440 = arith.constant 0 : i32
        %dma_start3A_441 = arith.constant 0 : i32
        %dma_start3A_442 = tpu.memref_slice %arg6[%dma_start3A_439, %dma_start3A_440, %dma_start3A_441] : memref<11x80x128xf32, #tpu.memory_space<vmem>> -> memref<1x80x128xf32, #tpu.memory_space<vmem>>
        %dma_start3A_443 = tpu.memref_squeeze %dma_start3A_442 : memref<1x80x128xf32, #tpu.memory_space<vmem>> -> memref<80x128xf32, #tpu.memory_space<vmem>>
        %dma_start3A_444 = tpu.memref_slice %arg5[%mul3A_438] : memref<10000xi32, #tpu.memory_space<vmem>> -> memref<80xi32, #tpu.memory_space<vmem>>
        %dma_start3A_445 = arith.constant 0 : i32
        %dma_start3A_446 = arith.constant 0 : i32
        %dma_start3A_447 = tpu.memref_slice %arg7[%dma_start3A_445, %dma_start3A_446] : memref<10x128xf32, #tpu.memory_space<vmem_shared>> -> memref<10x128xf32, #tpu.memory_space<vmem_shared>>
        tpu.enqueue_indirect_dma source(%dma_start3A_447 : memref<10x128xf32, #tpu.memory_space<vmem_shared>>) target(%dma_start3A_443 : memref<80x128xf32, #tpu.memory_space<vmem>>) offsets(%dma_start3A_444 : memref<80xi32, #tpu.memory_space<vmem>>) semaphore(%arg9 : memref<!tpu.dma_semaphore, #tpu.memory_space<semaphore_mem>>)
      } else {
      }
      %add3A_219 = arith.constant 2 : i32
      %add3A_220 = arith.addi %mul3A_171, %add3A_219 : i32
      %mul3A_221 = arith.constant 80 : i32
      %mul3A_222 = arith.muli %add3A_220, %mul3A_221 : i32
      %dma_wait3A_223 = arith.constant 2 : i32
      %dma_wait3A_224 = arith.constant 0 : i32
      %dma_wait3A_225 = arith.constant 0 : i32
      %dma_wait3A_226 = tpu.memref_slice %arg6[%dma_wait3A_223, %dma_wait3A_224, %dma_wait3A_225] : memref<11x80x128xf32, #tpu.memory_space<vmem>> -> memref<1x80x128xf32, #tpu.memory_space<vmem>>
      %dma_wait3A_227 = tpu.memref_squeeze %dma_wait3A_226 : memref<1x80x128xf32, #tpu.memory_space<vmem>> -> memref<80x128xf32, #tpu.memory_space<vmem>>
      %dma_wait3A_228 = tpu.memref_slice %arg5[%mul3A_222] : memref<10000xi32, #tpu.memory_space<vmem>> -> memref<80xi32, #tpu.memory_space<vmem>>
      %dma_wait3A_229 = arith.constant 0 : i32
      %dma_wait3A_230 = arith.constant 0 : i32
      %dma_wait3A_231 = tpu.memref_slice %arg7[%dma_wait3A_229, %dma_wait3A_230] : memref<10x128xf32, #tpu.memory_space<vmem_shared>> -> memref<10x128xf32, #tpu.memory_space<vmem_shared>>
      tpu.wait_indirect_dma semaphore(%arg10 : memref<!tpu.dma_semaphore, #tpu.memory_space<semaphore_mem>>) src(%dma_wait3A_231 : memref<10x128xf32, #tpu.memory_space<vmem_shared>>) dst(%dma_wait3A_227 : memref<80x128xf32, #tpu.memory_space<vmem>>)
      %mul3A_232 = arith.constant 80 : i32
      %mul3A_233 = arith.muli %add3A_220, %mul3A_232 : i32
      %add3A_234 = arith.addi %mul3A_2, %mul3A_233 : i32
      %run_scoped3A_235 = arith.constant 2 : i32
      "tpu.region"() ({
        %run_scoped3A_435 = tpu.sem_alloc : memref<!tpu.dma_semaphore, #tpu.memory_space<semaphore_mem>>
        %dma_start3A_436 = arith.constant 0 : i32
        %dma_start3A_437 = arith.constant 0 : i32
        %dma_start3A_438 = tpu.memref_slice %arg6[%run_scoped3A_235, %dma_start3A_436, %dma_start3A_437] : memref<11x80x128xf32, #tpu.memory_space<vmem>> -> memref<1x80x128xf32, #tpu.memory_space<vmem>>
        %dma_start3A_439 = tpu.memref_squeeze %dma_start3A_438 : memref<1x80x128xf32, #tpu.memory_space<vmem>> -> memref<80x128xf32, #tpu.memory_space<vmem>>
        %dma_start3A_440 = arith.constant 0 : i32
        %dma_start3A_441 = tpu.memref_slice %arg4[%add3A_234, %dma_start3A_440] : memref<320000x128xf32, #tpu.memory_space<hbm>> -> memref<80x128xf32, #tpu.memory_space<hbm>>
        %dma_start3A_442 = arith.constant 0 : i32
        %dma_start3A_443 = tpu.memref_slice %arg4[%add3A_234, %dma_start3A_442] : memref<320000x128xf32, #tpu.memory_space<hbm>> -> memref<80x128xf32, #tpu.memory_space<hbm>>
        %dma_start3A_444 = arith.constant 0 : i32
        %dma_start3A_445 = arith.constant 0 : i32
        %dma_start3A_446 = tpu.memref_slice %arg6[%run_scoped3A_235, %dma_start3A_444, %dma_start3A_445] : memref<11x80x128xf32, #tpu.memory_space<vmem>> -> memref<1x80x128xf32, #tpu.memory_space<vmem>>
        %dma_start3A_447 = tpu.memref_squeeze %dma_start3A_446 : memref<1x80x128xf32, #tpu.memory_space<vmem>> -> memref<80x128xf32, #tpu.memory_space<vmem>>
        tpu.enqueue_dma source(%dma_start3A_447 : memref<80x128xf32, #tpu.memory_space<vmem>>) target(%dma_start3A_443 : memref<80x128xf32, #tpu.memory_space<hbm>>) target_semaphore(%run_scoped3A_435 : memref<!tpu.dma_semaphore, #tpu.memory_space<semaphore_mem>>)
        %dma_wait3A_448 = arith.constant 0 : i32
        %dma_wait3A_449 = arith.constant 0 : i32
        %dma_wait3A_450 = tpu.memref_slice %arg6[%run_scoped3A_235, %dma_wait3A_448, %dma_wait3A_449] : memref<11x80x128xf32, #tpu.memory_space<vmem>> -> memref<1x80x128xf32, #tpu.memory_space<vmem>>
        %dma_wait3A_451 = tpu.memref_squeeze %dma_wait3A_450 : memref<1x80x128xf32, #tpu.memory_space<vmem>> -> memref<80x128xf32, #tpu.memory_space<vmem>>
        %dma_wait3A_452 = arith.constant 0 : i32
        %dma_wait3A_453 = tpu.memref_slice %arg4[%add3A_234, %dma_wait3A_452] : memref<320000x128xf32, #tpu.memory_space<hbm>> -> memref<80x128xf32, #tpu.memory_space<hbm>>
        %dma_wait3A_454 = arith.constant 0 : i32
        %dma_wait3A_455 = tpu.memref_slice %arg4[%add3A_234, %dma_wait3A_454] : memref<320000x128xf32, #tpu.memory_space<hbm>> -> memref<80x128xf32, #tpu.memory_space<hbm>>
        %dma_wait3A_456 = arith.constant 0 : i32
        %dma_wait3A_457 = arith.constant 0 : i32
        %dma_wait3A_458 = tpu.memref_slice %arg6[%run_scoped3A_235, %dma_wait3A_456, %dma_wait3A_457] : memref<11x80x128xf32, #tpu.memory_space<vmem>> -> memref<1x80x128xf32, #tpu.memory_space<vmem>>
        %dma_wait3A_459 = tpu.memref_squeeze %dma_wait3A_458 : memref<1x80x128xf32, #tpu.memory_space<vmem>> -> memref<80x128xf32, #tpu.memory_space<vmem>>
        tpu.wait_dma2 semaphore(%run_scoped3A_435 : memref<!tpu.dma_semaphore, #tpu.memory_space<semaphore_mem>>) src(%dma_wait3A_459 : memref<80x128xf32, #tpu.memory_space<vmem>>) dst(%dma_wait3A_455 : memref<80x128xf32, #tpu.memory_space<hbm>>)
        tpu.yield
      }) : () -> ()
      %add3A_236 = arith.constant 11 : i32
      %add3A_237 = arith.addi %add3A_220, %add3A_236 : i32
      %lt3A_238 = arith.constant 125 : i32
      %lt3A_239 = arith.cmpi slt, %add3A_237, %lt3A_238 : i32
      %convert_element_type3A_240 = arith.extui %lt3A_239 : i1 to i32
      %cond3A_241 = arith.constant 0 : i32
      %cond3A_242 = arith.cmpi ne, %convert_element_type3A_240, %cond3A_241 : i32
      scf.if %cond3A_242 {
        %add3A_435 = arith.constant 11 : i32
        %add3A_436 = arith.addi %add3A_220, %add3A_435 : i32
        %mul3A_437 = arith.constant 80 : i32
        %mul3A_438 = arith.muli %add3A_436, %mul3A_437 : i32
        %dma_start3A_439 = arith.constant 2 : i32
        %dma_start3A_440 = arith.constant 0 : i32
        %dma_start3A_441 = arith.constant 0 : i32
        %dma_start3A_442 = tpu.memref_slice %arg6[%dma_start3A_439, %dma_start3A_440, %dma_start3A_441] : memref<11x80x128xf32, #tpu.memory_space<vmem>> -> memref<1x80x128xf32, #tpu.memory_space<vmem>>
        %dma_start3A_443 = tpu.memref_squeeze %dma_start3A_442 : memref<1x80x128xf32, #tpu.memory_space<vmem>> -> memref<80x128xf32, #tpu.memory_space<vmem>>
        %dma_start3A_444 = tpu.memref_slice %arg5[%mul3A_438] : memref<10000xi32, #tpu.memory_space<vmem>> -> memref<80xi32, #tpu.memory_space<vmem>>
        %dma_start3A_445 = arith.constant 0 : i32
        %dma_start3A_446 = arith.constant 0 : i32
        %dma_start3A_447 = tpu.memref_slice %arg7[%dma_start3A_445, %dma_start3A_446] : memref<10x128xf32, #tpu.memory_space<vmem_shared>> -> memref<10x128xf32, #tpu.memory_space<vmem_shared>>
        tpu.enqueue_indirect_dma source(%dma_start3A_447 : memref<10x128xf32, #tpu.memory_space<vmem_shared>>) target(%dma_start3A_443 : memref<80x128xf32, #tpu.memory_space<vmem>>) offsets(%dma_start3A_444 : memref<80xi32, #tpu.memory_space<vmem>>) semaphore(%arg10 : memref<!tpu.dma_semaphore, #tpu.memory_space<semaphore_mem>>)
      } else {
      }
      %add3A_243 = arith.constant 3 : i32
      %add3A_244 = arith.addi %mul3A_171, %add3A_243 : i32
      %mul3A_245 = arith.constant 80 : i32
      %mul3A_246 = arith.muli %add3A_244, %mul3A_245 : i32
      %dma_wait3A_247 = arith.constant 3 : i32
      %dma_wait3A_248 = arith.constant 0 : i32
      %dma_wait3A_249 = arith.constant 0 : i32
      %dma_wait3A_250 = tpu.memref_slice %arg6[%dma_wait3A_247, %dma_wait3A_248, %dma_wait3A_249] : memref<11x80x128xf32, #tpu.memory_space<vmem>> -> memref<1x80x128xf32, #tpu.memory_space<vmem>>
      %dma_wait3A_251 = tpu.memref_squeeze %dma_wait3A_250 : memref<1x80x128xf32, #tpu.memory_space<vmem>> -> memref<80x128xf32, #tpu.memory_space<vmem>>
      %dma_wait3A_252 = tpu.memref_slice %arg5[%mul3A_246] : memref<10000xi32, #tpu.memory_space<vmem>> -> memref<80xi32, #tpu.memory_space<vmem>>
      %dma_wait3A_253 = arith.constant 0 : i32
      %dma_wait3A_254 = arith.constant 0 : i32
      %dma_wait3A_255 = tpu.memref_slice %arg7[%dma_wait3A_253, %dma_wait3A_254] : memref<10x128xf32, #tpu.memory_space<vmem_shared>> -> memref<10x128xf32, #tpu.memory_space<vmem_shared>>
      tpu.wait_indirect_dma semaphore(%arg11 : memref<!tpu.dma_semaphore, #tpu.memory_space<semaphore_mem>>) src(%dma_wait3A_255 : memref<10x128xf32, #tpu.memory_space<vmem_shared>>) dst(%dma_wait3A_251 : memref<80x128xf32, #tpu.memory_space<vmem>>)
      %mul3A_256 = arith.constant 80 : i32
      %mul3A_257 = arith.muli %add3A_244, %mul3A_256 : i32
      %add3A_258 = arith.addi %mul3A_2, %mul3A_257 : i32
      %run_scoped3A_259 = arith.constant 3 : i32
      "tpu.region"() ({
        %run_scoped3A_435 = tpu.sem_alloc : memref<!tpu.dma_semaphore, #tpu.memory_space<semaphore_mem>>
        %dma_start3A_436 = arith.constant 0 : i32
        %dma_start3A_437 = arith.constant 0 : i32
        %dma_start3A_438 = tpu.memref_slice %arg6[%run_scoped3A_259, %dma_start3A_436, %dma_start3A_437] : memref<11x80x128xf32, #tpu.memory_space<vmem>> -> memref<1x80x128xf32, #tpu.memory_space<vmem>>
        %dma_start3A_439 = tpu.memref_squeeze %dma_start3A_438 : memref<1x80x128xf32, #tpu.memory_space<vmem>> -> memref<80x128xf32, #tpu.memory_space<vmem>>
        %dma_start3A_440 = arith.constant 0 : i32
        %dma_start3A_441 = tpu.memref_slice %arg4[%add3A_258, %dma_start3A_440] : memref<320000x128xf32, #tpu.memory_space<hbm>> -> memref<80x128xf32, #tpu.memory_space<hbm>>
        %dma_start3A_442 = arith.constant 0 : i32
        %dma_start3A_443 = tpu.memref_slice %arg4[%add3A_258, %dma_start3A_442] : memref<320000x128xf32, #tpu.memory_space<hbm>> -> memref<80x128xf32, #tpu.memory_space<hbm>>
        %dma_start3A_444 = arith.constant 0 : i32
        %dma_start3A_445 = arith.constant 0 : i32
        %dma_start3A_446 = tpu.memref_slice %arg6[%run_scoped3A_259, %dma_start3A_444, %dma_start3A_445] : memref<11x80x128xf32, #tpu.memory_space<vmem>> -> memref<1x80x128xf32, #tpu.memory_space<vmem>>
        %dma_start3A_447 = tpu.memref_squeeze %dma_start3A_446 : memref<1x80x128xf32, #tpu.memory_space<vmem>> -> memref<80x128xf32, #tpu.memory_space<vmem>>
        tpu.enqueue_dma source(%dma_start3A_447 : memref<80x128xf32, #tpu.memory_space<vmem>>) target(%dma_start3A_443 : memref<80x128xf32, #tpu.memory_space<hbm>>) target_semaphore(%run_scoped3A_435 : memref<!tpu.dma_semaphore, #tpu.memory_space<semaphore_mem>>)
        %dma_wait3A_448 = arith.constant 0 : i32
        %dma_wait3A_449 = arith.constant 0 : i32
        %dma_wait3A_450 = tpu.memref_slice %arg6[%run_scoped3A_259, %dma_wait3A_448, %dma_wait3A_449] : memref<11x80x128xf32, #tpu.memory_space<vmem>> -> memref<1x80x128xf32, #tpu.memory_space<vmem>>
        %dma_wait3A_451 = tpu.memref_squeeze %dma_wait3A_450 : memref<1x80x128xf32, #tpu.memory_space<vmem>> -> memref<80x128xf32, #tpu.memory_space<vmem>>
        %dma_wait3A_452 = arith.constant 0 : i32
        %dma_wait3A_453 = tpu.memref_slice %arg4[%add3A_258, %dma_wait3A_452] : memref<320000x128xf32, #tpu.memory_space<hbm>> -> memref<80x128xf32, #tpu.memory_space<hbm>>
        %dma_wait3A_454 = arith.constant 0 : i32
        %dma_wait3A_455 = tpu.memref_slice %arg4[%add3A_258, %dma_wait3A_454] : memref<320000x128xf32, #tpu.memory_space<hbm>> -> memref<80x128xf32, #tpu.memory_space<hbm>>
        %dma_wait3A_456 = arith.constant 0 : i32
        %dma_wait3A_457 = arith.constant 0 : i32
        %dma_wait3A_458 = tpu.memref_slice %arg6[%run_scoped3A_259, %dma_wait3A_456, %dma_wait3A_457] : memref<11x80x128xf32, #tpu.memory_space<vmem>> -> memref<1x80x128xf32, #tpu.memory_space<vmem>>
        %dma_wait3A_459 = tpu.memref_squeeze %dma_wait3A_458 : memref<1x80x128xf32, #tpu.memory_space<vmem>> -> memref<80x128xf32, #tpu.memory_space<vmem>>
        tpu.wait_dma2 semaphore(%run_scoped3A_435 : memref<!tpu.dma_semaphore, #tpu.memory_space<semaphore_mem>>) src(%dma_wait3A_459 : memref<80x128xf32, #tpu.memory_space<vmem>>) dst(%dma_wait3A_455 : memref<80x128xf32, #tpu.memory_space<hbm>>)
        tpu.yield
      }) : () -> ()
      %add3A_260 = arith.constant 11 : i32
      %add3A_261 = arith.addi %add3A_244, %add3A_260 : i32
      %lt3A_262 = arith.constant 125 : i32
      %lt3A_263 = arith.cmpi slt, %add3A_261, %lt3A_262 : i32
      %convert_element_type3A_264 = arith.extui %lt3A_263 : i1 to i32
      %cond3A_265 = arith.constant 0 : i32
      %cond3A_266 = arith.cmpi ne, %convert_element_type3A_264, %cond3A_265 : i32
      scf.if %cond3A_266 {
        %add3A_435 = arith.constant 11 : i32
        %add3A_436 = arith.addi %add3A_244, %add3A_435 : i32
        %mul3A_437 = arith.constant 80 : i32
        %mul3A_438 = arith.muli %add3A_436, %mul3A_437 : i32
        %dma_start3A_439 = arith.constant 3 : i32
        %dma_start3A_440 = arith.constant 0 : i32
        %dma_start3A_441 = arith.constant 0 : i32
        %dma_start3A_442 = tpu.memref_slice %arg6[%dma_start3A_439, %dma_start3A_440, %dma_start3A_441] : memref<11x80x128xf32, #tpu.memory_space<vmem>> -> memref<1x80x128xf32, #tpu.memory_space<vmem>>
        %dma_start3A_443 = tpu.memref_squeeze %dma_start3A_442 : memref<1x80x128xf32, #tpu.memory_space<vmem>> -> memref<80x128xf32, #tpu.memory_space<vmem>>
        %dma_start3A_444 = tpu.memref_slice %arg5[%mul3A_438] : memref<10000xi32, #tpu.memory_space<vmem>> -> memref<80xi32, #tpu.memory_space<vmem>>
        %dma_start3A_445 = arith.constant 0 : i32
        %dma_start3A_446 = arith.constant 0 : i32
        %dma_start3A_447 = tpu.memref_slice %arg7[%dma_start3A_445, %dma_start3A_446] : memref<10x128xf32, #tpu.memory_space<vmem_shared>> -> memref<10x128xf32, #tpu.memory_space<vmem_shared>>
        tpu.enqueue_indirect_dma source(%dma_start3A_447 : memref<10x128xf32, #tpu.memory_space<vmem_shared>>) target(%dma_start3A_443 : memref<80x128xf32, #tpu.memory_space<vmem>>) offsets(%dma_start3A_444 : memref<80xi32, #tpu.memory_space<vmem>>) semaphore(%arg11 : memref<!tpu.dma_semaphore, #tpu.memory_space<semaphore_mem>>)
      } else {
      }
      %add3A_267 = arith.constant 4 : i32
      %add3A_268 = arith.addi %mul3A_171, %add3A_267 : i32
      %mul3A_269 = arith.constant 80 : i32
      %mul3A_270 = arith.muli %add3A_268, %mul3A_269 : i32
      %dma_wait3A_271 = arith.constant 4 : i32
      %dma_wait3A_272 = arith.constant 0 : i32
      %dma_wait3A_273 = arith.constant 0 : i32
      %dma_wait3A_274 = tpu.memref_slice %arg6[%dma_wait3A_271, %dma_wait3A_272, %dma_wait3A_273] : memref<11x80x128xf32, #tpu.memory_space<vmem>> -> memref<1x80x128xf32, #tpu.memory_space<vmem>>
      %dma_wait3A_275 = tpu.memref_squeeze %dma_wait3A_274 : memref<1x80x128xf32, #tpu.memory_space<vmem>> -> memref<80x128xf32, #tpu.memory_space<vmem>>
      %dma_wait3A_276 = tpu.memref_slice %arg5[%mul3A_270] : memref<10000xi32, #tpu.memory_space<vmem>> -> memref<80xi32, #tpu.memory_space<vmem>>
      %dma_wait3A_277 = arith.constant 0 : i32
      %dma_wait3A_278 = arith.constant 0 : i32
      %dma_wait3A_279 = tpu.memref_slice %arg7[%dma_wait3A_277, %dma_wait3A_278] : memref<10x128xf32, #tpu.memory_space<vmem_shared>> -> memref<10x128xf32, #tpu.memory_space<vmem_shared>>
      tpu.wait_indirect_dma semaphore(%arg12 : memref<!tpu.dma_semaphore, #tpu.memory_space<semaphore_mem>>) src(%dma_wait3A_279 : memref<10x128xf32, #tpu.memory_space<vmem_shared>>) dst(%dma_wait3A_275 : memref<80x128xf32, #tpu.memory_space<vmem>>)
      %mul3A_280 = arith.constant 80 : i32
      %mul3A_281 = arith.muli %add3A_268, %mul3A_280 : i32
      %add3A_282 = arith.addi %mul3A_2, %mul3A_281 : i32
      %run_scoped3A_283 = arith.constant 4 : i32
      "tpu.region"() ({
        %run_scoped3A_435 = tpu.sem_alloc : memref<!tpu.dma_semaphore, #tpu.memory_space<semaphore_mem>>
        %dma_start3A_436 = arith.constant 0 : i32
        %dma_start3A_437 = arith.constant 0 : i32
        %dma_start3A_438 = tpu.memref_slice %arg6[%run_scoped3A_283, %dma_start3A_436, %dma_start3A_437] : memref<11x80x128xf32, #tpu.memory_space<vmem>> -> memref<1x80x128xf32, #tpu.memory_space<vmem>>
        %dma_start3A_439 = tpu.memref_squeeze %dma_start3A_438 : memref<1x80x128xf32, #tpu.memory_space<vmem>> -> memref<80x128xf32, #tpu.memory_space<vmem>>
        %dma_start3A_440 = arith.constant 0 : i32
        %dma_start3A_441 = tpu.memref_slice %arg4[%add3A_282, %dma_start3A_440] : memref<320000x128xf32, #tpu.memory_space<hbm>> -> memref<80x128xf32, #tpu.memory_space<hbm>>
        %dma_start3A_442 = arith.constant 0 : i32
        %dma_start3A_443 = tpu.memref_slice %arg4[%add3A_282, %dma_start3A_442] : memref<320000x128xf32, #tpu.memory_space<hbm>> -> memref<80x128xf32, #tpu.memory_space<hbm>>
        %dma_start3A_444 = arith.constant 0 : i32
        %dma_start3A_445 = arith.constant 0 : i32
        %dma_start3A_446 = tpu.memref_slice %arg6[%run_scoped3A_283, %dma_start3A_444, %dma_start3A_445] : memref<11x80x128xf32, #tpu.memory_space<vmem>> -> memref<1x80x128xf32, #tpu.memory_space<vmem>>
        %dma_start3A_447 = tpu.memref_squeeze %dma_start3A_446 : memref<1x80x128xf32, #tpu.memory_space<vmem>> -> memref<80x128xf32, #tpu.memory_space<vmem>>
        tpu.enqueue_dma source(%dma_start3A_447 : memref<80x128xf32, #tpu.memory_space<vmem>>) target(%dma_start3A_443 : memref<80x128xf32, #tpu.memory_space<hbm>>) target_semaphore(%run_scoped3A_435 : memref<!tpu.dma_semaphore, #tpu.memory_space<semaphore_mem>>)
        %dma_wait3A_448 = arith.constant 0 : i32
        %dma_wait3A_449 = arith.constant 0 : i32
        %dma_wait3A_450 = tpu.memref_slice %arg6[%run_scoped3A_283, %dma_wait3A_448, %dma_wait3A_449] : memref<11x80x128xf32, #tpu.memory_space<vmem>> -> memref<1x80x128xf32, #tpu.memory_space<vmem>>
        %dma_wait3A_451 = tpu.memref_squeeze %dma_wait3A_450 : memref<1x80x128xf32, #tpu.memory_space<vmem>> -> memref<80x128xf32, #tpu.memory_space<vmem>>
        %dma_wait3A_452 = arith.constant 0 : i32
        %dma_wait3A_453 = tpu.memref_slice %arg4[%add3A_282, %dma_wait3A_452] : memref<320000x128xf32, #tpu.memory_space<hbm>> -> memref<80x128xf32, #tpu.memory_space<hbm>>
        %dma_wait3A_454 = arith.constant 0 : i32
        %dma_wait3A_455 = tpu.memref_slice %arg4[%add3A_282, %dma_wait3A_454] : memref<320000x128xf32, #tpu.memory_space<hbm>> -> memref<80x128xf32, #tpu.memory_space<hbm>>
        %dma_wait3A_456 = arith.constant 0 : i32
        %dma_wait3A_457 = arith.constant 0 : i32
        %dma_wait3A_458 = tpu.memref_slice %arg6[%run_scoped3A_283, %dma_wait3A_456, %dma_wait3A_457] : memref<11x80x128xf32, #tpu.memory_space<vmem>> -> memref<1x80x128xf32, #tpu.memory_space<vmem>>
        %dma_wait3A_459 = tpu.memref_squeeze %dma_wait3A_458 : memref<1x80x128xf32, #tpu.memory_space<vmem>> -> memref<80x128xf32, #tpu.memory_space<vmem>>
        tpu.wait_dma2 semaphore(%run_scoped3A_435 : memref<!tpu.dma_semaphore, #tpu.memory_space<semaphore_mem>>) src(%dma_wait3A_459 : memref<80x128xf32, #tpu.memory_space<vmem>>) dst(%dma_wait3A_455 : memref<80x128xf32, #tpu.memory_space<hbm>>)
        tpu.yield
      }) : () -> ()
      %add3A_284 = arith.constant 11 : i32
      %add3A_285 = arith.addi %add3A_268, %add3A_284 : i32
      %lt3A_286 = arith.constant 125 : i32
      %lt3A_287 = arith.cmpi slt, %add3A_285, %lt3A_286 : i32
      %convert_element_type3A_288 = arith.extui %lt3A_287 : i1 to i32
      %cond3A_289 = arith.constant 0 : i32
      %cond3A_290 = arith.cmpi ne, %convert_element_type3A_288, %cond3A_289 : i32
      scf.if %cond3A_290 {
        %add3A_435 = arith.constant 11 : i32
        %add3A_436 = arith.addi %add3A_268, %add3A_435 : i32
        %mul3A_437 = arith.constant 80 : i32
        %mul3A_438 = arith.muli %add3A_436, %mul3A_437 : i32
        %dma_start3A_439 = arith.constant 4 : i32
        %dma_start3A_440 = arith.constant 0 : i32
        %dma_start3A_441 = arith.constant 0 : i32
        %dma_start3A_442 = tpu.memref_slice %arg6[%dma_start3A_439, %dma_start3A_440, %dma_start3A_441] : memref<11x80x128xf32, #tpu.memory_space<vmem>> -> memref<1x80x128xf32, #tpu.memory_space<vmem>>
        %dma_start3A_443 = tpu.memref_squeeze %dma_start3A_442 : memref<1x80x128xf32, #tpu.memory_space<vmem>> -> memref<80x128xf32, #tpu.memory_space<vmem>>
        %dma_start3A_444 = tpu.memref_slice %arg5[%mul3A_438] : memref<10000xi32, #tpu.memory_space<vmem>> -> memref<80xi32, #tpu.memory_space<vmem>>
        %dma_start3A_445 = arith.constant 0 : i32
        %dma_start3A_446 = arith.constant 0 : i32
        %dma_start3A_447 = tpu.memref_slice %arg7[%dma_start3A_445, %dma_start3A_446] : memref<10x128xf32, #tpu.memory_space<vmem_shared>> -> memref<10x128xf32, #tpu.memory_space<vmem_shared>>
        tpu.enqueue_indirect_dma source(%dma_start3A_447 : memref<10x128xf32, #tpu.memory_space<vmem_shared>>) target(%dma_start3A_443 : memref<80x128xf32, #tpu.memory_space<vmem>>) offsets(%dma_start3A_444 : memref<80xi32, #tpu.memory_space<vmem>>) semaphore(%arg12 : memref<!tpu.dma_semaphore, #tpu.memory_space<semaphore_mem>>)
      } else {
      }
      %add3A_291 = arith.constant 5 : i32
      %add3A_292 = arith.addi %mul3A_171, %add3A_291 : i32
      %mul3A_293 = arith.constant 80 : i32
      %mul3A_294 = arith.muli %add3A_292, %mul3A_293 : i32
      %dma_wait3A_295 = arith.constant 5 : i32
      %dma_wait3A_296 = arith.constant 0 : i32
      %dma_wait3A_297 = arith.constant 0 : i32
      %dma_wait3A_298 = tpu.memref_slice %arg6[%dma_wait3A_295, %dma_wait3A_296, %dma_wait3A_297] : memref<11x80x128xf32, #tpu.memory_space<vmem>> -> memref<1x80x128xf32, #tpu.memory_space<vmem>>
      %dma_wait3A_299 = tpu.memref_squeeze %dma_wait3A_298 : memref<1x80x128xf32, #tpu.memory_space<vmem>> -> memref<80x128xf32, #tpu.memory_space<vmem>>
      %dma_wait3A_300 = tpu.memref_slice %arg5[%mul3A_294] : memref<10000xi32, #tpu.memory_space<vmem>> -> memref<80xi32, #tpu.memory_space<vmem>>
      %dma_wait3A_301 = arith.constant 0 : i32
      %dma_wait3A_302 = arith.constant 0 : i32
      %dma_wait3A_303 = tpu.memref_slice %arg7[%dma_wait3A_301, %dma_wait3A_302] : memref<10x128xf32, #tpu.memory_space<vmem_shared>> -> memref<10x128xf32, #tpu.memory_space<vmem_shared>>
      tpu.wait_indirect_dma semaphore(%arg13 : memref<!tpu.dma_semaphore, #tpu.memory_space<semaphore_mem>>) src(%dma_wait3A_303 : memref<10x128xf32, #tpu.memory_space<vmem_shared>>) dst(%dma_wait3A_299 : memref<80x128xf32, #tpu.memory_space<vmem>>)
      %mul3A_304 = arith.constant 80 : i32
      %mul3A_305 = arith.muli %add3A_292, %mul3A_304 : i32
      %add3A_306 = arith.addi %mul3A_2, %mul3A_305 : i32
      %run_scoped3A_307 = arith.constant 5 : i32
      "tpu.region"() ({
        %run_scoped3A_435 = tpu.sem_alloc : memref<!tpu.dma_semaphore, #tpu.memory_space<semaphore_mem>>
        %dma_start3A_436 = arith.constant 0 : i32
        %dma_start3A_437 = arith.constant 0 : i32
        %dma_start3A_438 = tpu.memref_slice %arg6[%run_scoped3A_307, %dma_start3A_436, %dma_start3A_437] : memref<11x80x128xf32, #tpu.memory_space<vmem>> -> memref<1x80x128xf32, #tpu.memory_space<vmem>>
        %dma_start3A_439 = tpu.memref_squeeze %dma_start3A_438 : memref<1x80x128xf32, #tpu.memory_space<vmem>> -> memref<80x128xf32, #tpu.memory_space<vmem>>
        %dma_start3A_440 = arith.constant 0 : i32
        %dma_start3A_441 = tpu.memref_slice %arg4[%add3A_306, %dma_start3A_440] : memref<320000x128xf32, #tpu.memory_space<hbm>> -> memref<80x128xf32, #tpu.memory_space<hbm>>
        %dma_start3A_442 = arith.constant 0 : i32
        %dma_start3A_443 = tpu.memref_slice %arg4[%add3A_306, %dma_start3A_442] : memref<320000x128xf32, #tpu.memory_space<hbm>> -> memref<80x128xf32, #tpu.memory_space<hbm>>
        %dma_start3A_444 = arith.constant 0 : i32
        %dma_start3A_445 = arith.constant 0 : i32
        %dma_start3A_446 = tpu.memref_slice %arg6[%run_scoped3A_307, %dma_start3A_444, %dma_start3A_445] : memref<11x80x128xf32, #tpu.memory_space<vmem>> -> memref<1x80x128xf32, #tpu.memory_space<vmem>>
        %dma_start3A_447 = tpu.memref_squeeze %dma_start3A_446 : memref<1x80x128xf32, #tpu.memory_space<vmem>> -> memref<80x128xf32, #tpu.memory_space<vmem>>
        tpu.enqueue_dma source(%dma_start3A_447 : memref<80x128xf32, #tpu.memory_space<vmem>>) target(%dma_start3A_443 : memref<80x128xf32, #tpu.memory_space<hbm>>) target_semaphore(%run_scoped3A_435 : memref<!tpu.dma_semaphore, #tpu.memory_space<semaphore_mem>>)
        %dma_wait3A_448 = arith.constant 0 : i32
        %dma_wait3A_449 = arith.constant 0 : i32
        %dma_wait3A_450 = tpu.memref_slice %arg6[%run_scoped3A_307, %dma_wait3A_448, %dma_wait3A_449] : memref<11x80x128xf32, #tpu.memory_space<vmem>> -> memref<1x80x128xf32, #tpu.memory_space<vmem>>
        %dma_wait3A_451 = tpu.memref_squeeze %dma_wait3A_450 : memref<1x80x128xf32, #tpu.memory_space<vmem>> -> memref<80x128xf32, #tpu.memory_space<vmem>>
        %dma_wait3A_452 = arith.constant 0 : i32
        %dma_wait3A_453 = tpu.memref_slice %arg4[%add3A_306, %dma_wait3A_452] : memref<320000x128xf32, #tpu.memory_space<hbm>> -> memref<80x128xf32, #tpu.memory_space<hbm>>
        %dma_wait3A_454 = arith.constant 0 : i32
        %dma_wait3A_455 = tpu.memref_slice %arg4[%add3A_306, %dma_wait3A_454] : memref<320000x128xf32, #tpu.memory_space<hbm>> -> memref<80x128xf32, #tpu.memory_space<hbm>>
        %dma_wait3A_456 = arith.constant 0 : i32
        %dma_wait3A_457 = arith.constant 0 : i32
        %dma_wait3A_458 = tpu.memref_slice %arg6[%run_scoped3A_307, %dma_wait3A_456, %dma_wait3A_457] : memref<11x80x128xf32, #tpu.memory_space<vmem>> -> memref<1x80x128xf32, #tpu.memory_space<vmem>>
        %dma_wait3A_459 = tpu.memref_squeeze %dma_wait3A_458 : memref<1x80x128xf32, #tpu.memory_space<vmem>> -> memref<80x128xf32, #tpu.memory_space<vmem>>
        tpu.wait_dma2 semaphore(%run_scoped3A_435 : memref<!tpu.dma_semaphore, #tpu.memory_space<semaphore_mem>>) src(%dma_wait3A_459 : memref<80x128xf32, #tpu.memory_space<vmem>>) dst(%dma_wait3A_455 : memref<80x128xf32, #tpu.memory_space<hbm>>)
        tpu.yield
      }) : () -> ()
      %add3A_308 = arith.constant 11 : i32
      %add3A_309 = arith.addi %add3A_292, %add3A_308 : i32
      %lt3A_310 = arith.constant 125 : i32
      %lt3A_311 = arith.cmpi slt, %add3A_309, %lt3A_310 : i32
      %convert_element_type3A_312 = arith.extui %lt3A_311 : i1 to i32
      %cond3A_313 = arith.constant 0 : i32
      %cond3A_314 = arith.cmpi ne, %convert_element_type3A_312, %cond3A_313 : i32
      scf.if %cond3A_314 {
        %add3A_435 = arith.constant 11 : i32
        %add3A_436 = arith.addi %add3A_292, %add3A_435 : i32
        %mul3A_437 = arith.constant 80 : i32
        %mul3A_438 = arith.muli %add3A_436, %mul3A_437 : i32
        %dma_start3A_439 = arith.constant 5 : i32
        %dma_start3A_440 = arith.constant 0 : i32
        %dma_start3A_441 = arith.constant 0 : i32
        %dma_start3A_442 = tpu.memref_slice %arg6[%dma_start3A_439, %dma_start3A_440, %dma_start3A_441] : memref<11x80x128xf32, #tpu.memory_space<vmem>> -> memref<1x80x128xf32, #tpu.memory_space<vmem>>
        %dma_start3A_443 = tpu.memref_squeeze %dma_start3A_442 : memref<1x80x128xf32, #tpu.memory_space<vmem>> -> memref<80x128xf32, #tpu.memory_space<vmem>>
        %dma_start3A_444 = tpu.memref_slice %arg5[%mul3A_438] : memref<10000xi32, #tpu.memory_space<vmem>> -> memref<80xi32, #tpu.memory_space<vmem>>
        %dma_start3A_445 = arith.constant 0 : i32
        %dma_start3A_446 = arith.constant 0 : i32
        %dma_start3A_447 = tpu.memref_slice %arg7[%dma_start3A_445, %dma_start3A_446] : memref<10x128xf32, #tpu.memory_space<vmem_shared>> -> memref<10x128xf32, #tpu.memory_space<vmem_shared>>
        tpu.enqueue_indirect_dma source(%dma_start3A_447 : memref<10x128xf32, #tpu.memory_space<vmem_shared>>) target(%dma_start3A_443 : memref<80x128xf32, #tpu.memory_space<vmem>>) offsets(%dma_start3A_444 : memref<80xi32, #tpu.memory_space<vmem>>) semaphore(%arg13 : memref<!tpu.dma_semaphore, #tpu.memory_space<semaphore_mem>>)
      } else {
      }
      %add3A_315 = arith.constant 6 : i32
      %add3A_316 = arith.addi %mul3A_171, %add3A_315 : i32
      %mul3A_317 = arith.constant 80 : i32
      %mul3A_318 = arith.muli %add3A_316, %mul3A_317 : i32
      %dma_wait3A_319 = arith.constant 6 : i32
      %dma_wait3A_320 = arith.constant 0 : i32
      %dma_wait3A_321 = arith.constant 0 : i32
      %dma_wait3A_322 = tpu.memref_slice %arg6[%dma_wait3A_319, %dma_wait3A_320, %dma_wait3A_321] : memref<11x80x128xf32, #tpu.memory_space<vmem>> -> memref<1x80x128xf32, #tpu.memory_space<vmem>>
      %dma_wait3A_323 = tpu.memref_squeeze %dma_wait3A_322 : memref<1x80x128xf32, #tpu.memory_space<vmem>> -> memref<80x128xf32, #tpu.memory_space<vmem>>
      %dma_wait3A_324 = tpu.memref_slice %arg5[%mul3A_318] : memref<10000xi32, #tpu.memory_space<vmem>> -> memref<80xi32, #tpu.memory_space<vmem>>
      %dma_wait3A_325 = arith.constant 0 : i32
      %dma_wait3A_326 = arith.constant 0 : i32
      %dma_wait3A_327 = tpu.memref_slice %arg7[%dma_wait3A_325, %dma_wait3A_326] : memref<10x128xf32, #tpu.memory_space<vmem_shared>> -> memref<10x128xf32, #tpu.memory_space<vmem_shared>>
      tpu.wait_indirect_dma semaphore(%arg14 : memref<!tpu.dma_semaphore, #tpu.memory_space<semaphore_mem>>) src(%dma_wait3A_327 : memref<10x128xf32, #tpu.memory_space<vmem_shared>>) dst(%dma_wait3A_323 : memref<80x128xf32, #tpu.memory_space<vmem>>)
      %mul3A_328 = arith.constant 80 : i32
      %mul3A_329 = arith.muli %add3A_316, %mul3A_328 : i32
      %add3A_330 = arith.addi %mul3A_2, %mul3A_329 : i32
      %run_scoped3A_331 = arith.constant 6 : i32
      "tpu.region"() ({
        %run_scoped3A_435 = tpu.sem_alloc : memref<!tpu.dma_semaphore, #tpu.memory_space<semaphore_mem>>
        %dma_start3A_436 = arith.constant 0 : i32
        %dma_start3A_437 = arith.constant 0 : i32
        %dma_start3A_438 = tpu.memref_slice %arg6[%run_scoped3A_331, %dma_start3A_436, %dma_start3A_437] : memref<11x80x128xf32, #tpu.memory_space<vmem>> -> memref<1x80x128xf32, #tpu.memory_space<vmem>>
        %dma_start3A_439 = tpu.memref_squeeze %dma_start3A_438 : memref<1x80x128xf32, #tpu.memory_space<vmem>> -> memref<80x128xf32, #tpu.memory_space<vmem>>
        %dma_start3A_440 = arith.constant 0 : i32
        %dma_start3A_441 = tpu.memref_slice %arg4[%add3A_330, %dma_start3A_440] : memref<320000x128xf32, #tpu.memory_space<hbm>> -> memref<80x128xf32, #tpu.memory_space<hbm>>
        %dma_start3A_442 = arith.constant 0 : i32
        %dma_start3A_443 = tpu.memref_slice %arg4[%add3A_330, %dma_start3A_442] : memref<320000x128xf32, #tpu.memory_space<hbm>> -> memref<80x128xf32, #tpu.memory_space<hbm>>
        %dma_start3A_444 = arith.constant 0 : i32
        %dma_start3A_445 = arith.constant 0 : i32
        %dma_start3A_446 = tpu.memref_slice %arg6[%run_scoped3A_331, %dma_start3A_444, %dma_start3A_445] : memref<11x80x128xf32, #tpu.memory_space<vmem>> -> memref<1x80x128xf32, #tpu.memory_space<vmem>>
        %dma_start3A_447 = tpu.memref_squeeze %dma_start3A_446 : memref<1x80x128xf32, #tpu.memory_space<vmem>> -> memref<80x128xf32, #tpu.memory_space<vmem>>
        tpu.enqueue_dma source(%dma_start3A_447 : memref<80x128xf32, #tpu.memory_space<vmem>>) target(%dma_start3A_443 : memref<80x128xf32, #tpu.memory_space<hbm>>) target_semaphore(%run_scoped3A_435 : memref<!tpu.dma_semaphore, #tpu.memory_space<semaphore_mem>>)
        %dma_wait3A_448 = arith.constant 0 : i32
        %dma_wait3A_449 = arith.constant 0 : i32
        %dma_wait3A_450 = tpu.memref_slice %arg6[%run_scoped3A_331, %dma_wait3A_448, %dma_wait3A_449] : memref<11x80x128xf32, #tpu.memory_space<vmem>> -> memref<1x80x128xf32, #tpu.memory_space<vmem>>
        %dma_wait3A_451 = tpu.memref_squeeze %dma_wait3A_450 : memref<1x80x128xf32, #tpu.memory_space<vmem>> -> memref<80x128xf32, #tpu.memory_space<vmem>>
        %dma_wait3A_452 = arith.constant 0 : i32
        %dma_wait3A_453 = tpu.memref_slice %arg4[%add3A_330, %dma_wait3A_452] : memref<320000x128xf32, #tpu.memory_space<hbm>> -> memref<80x128xf32, #tpu.memory_space<hbm>>
        %dma_wait3A_454 = arith.constant 0 : i32
        %dma_wait3A_455 = tpu.memref_slice %arg4[%add3A_330, %dma_wait3A_454] : memref<320000x128xf32, #tpu.memory_space<hbm>> -> memref<80x128xf32, #tpu.memory_space<hbm>>
        %dma_wait3A_456 = arith.constant 0 : i32
        %dma_wait3A_457 = arith.constant 0 : i32
        %dma_wait3A_458 = tpu.memref_slice %arg6[%run_scoped3A_331, %dma_wait3A_456, %dma_wait3A_457] : memref<11x80x128xf32, #tpu.memory_space<vmem>> -> memref<1x80x128xf32, #tpu.memory_space<vmem>>
        %dma_wait3A_459 = tpu.memref_squeeze %dma_wait3A_458 : memref<1x80x128xf32, #tpu.memory_space<vmem>> -> memref<80x128xf32, #tpu.memory_space<vmem>>
        tpu.wait_dma2 semaphore(%run_scoped3A_435 : memref<!tpu.dma_semaphore, #tpu.memory_space<semaphore_mem>>) src(%dma_wait3A_459 : memref<80x128xf32, #tpu.memory_space<vmem>>) dst(%dma_wait3A_455 : memref<80x128xf32, #tpu.memory_space<hbm>>)
        tpu.yield
      }) : () -> ()
      %add3A_332 = arith.constant 11 : i32
      %add3A_333 = arith.addi %add3A_316, %add3A_332 : i32
      %lt3A_334 = arith.constant 125 : i32
      %lt3A_335 = arith.cmpi slt, %add3A_333, %lt3A_334 : i32
      %convert_element_type3A_336 = arith.extui %lt3A_335 : i1 to i32
      %cond3A_337 = arith.constant 0 : i32
      %cond3A_338 = arith.cmpi ne, %convert_element_type3A_336, %cond3A_337 : i32
      scf.if %cond3A_338 {
        %add3A_435 = arith.constant 11 : i32
        %add3A_436 = arith.addi %add3A_316, %add3A_435 : i32
        %mul3A_437 = arith.constant 80 : i32
        %mul3A_438 = arith.muli %add3A_436, %mul3A_437 : i32
        %dma_start3A_439 = arith.constant 6 : i32
        %dma_start3A_440 = arith.constant 0 : i32
        %dma_start3A_441 = arith.constant 0 : i32
        %dma_start3A_442 = tpu.memref_slice %arg6[%dma_start3A_439, %dma_start3A_440, %dma_start3A_441] : memref<11x80x128xf32, #tpu.memory_space<vmem>> -> memref<1x80x128xf32, #tpu.memory_space<vmem>>
        %dma_start3A_443 = tpu.memref_squeeze %dma_start3A_442 : memref<1x80x128xf32, #tpu.memory_space<vmem>> -> memref<80x128xf32, #tpu.memory_space<vmem>>
        %dma_start3A_444 = tpu.memref_slice %arg5[%mul3A_438] : memref<10000xi32, #tpu.memory_space<vmem>> -> memref<80xi32, #tpu.memory_space<vmem>>
        %dma_start3A_445 = arith.constant 0 : i32
        %dma_start3A_446 = arith.constant 0 : i32
        %dma_start3A_447 = tpu.memref_slice %arg7[%dma_start3A_445, %dma_start3A_446] : memref<10x128xf32, #tpu.memory_space<vmem_shared>> -> memref<10x128xf32, #tpu.memory_space<vmem_shared>>
        tpu.enqueue_indirect_dma source(%dma_start3A_447 : memref<10x128xf32, #tpu.memory_space<vmem_shared>>) target(%dma_start3A_443 : memref<80x128xf32, #tpu.memory_space<vmem>>) offsets(%dma_start3A_444 : memref<80xi32, #tpu.memory_space<vmem>>) semaphore(%arg14 : memref<!tpu.dma_semaphore, #tpu.memory_space<semaphore_mem>>)
      } else {
      }
      %add3A_339 = arith.constant 7 : i32
      %add3A_340 = arith.addi %mul3A_171, %add3A_339 : i32
      %mul3A_341 = arith.constant 80 : i32
      %mul3A_342 = arith.muli %add3A_340, %mul3A_341 : i32
      %dma_wait3A_343 = arith.constant 7 : i32
      %dma_wait3A_344 = arith.constant 0 : i32
      %dma_wait3A_345 = arith.constant 0 : i32
      %dma_wait3A_346 = tpu.memref_slice %arg6[%dma_wait3A_343, %dma_wait3A_344, %dma_wait3A_345] : memref<11x80x128xf32, #tpu.memory_space<vmem>> -> memref<1x80x128xf32, #tpu.memory_space<vmem>>
      %dma_wait3A_347 = tpu.memref_squeeze %dma_wait3A_346 : memref<1x80x128xf32, #tpu.memory_space<vmem>> -> memref<80x128xf32, #tpu.memory_space<vmem>>
      %dma_wait3A_348 = tpu.memref_slice %arg5[%mul3A_342] : memref<10000xi32, #tpu.memory_space<vmem>> -> memref<80xi32, #tpu.memory_space<vmem>>
      %dma_wait3A_349 = arith.constant 0 : i32
      %dma_wait3A_350 = arith.constant 0 : i32
      %dma_wait3A_351 = tpu.memref_slice %arg7[%dma_wait3A_349, %dma_wait3A_350] : memref<10x128xf32, #tpu.memory_space<vmem_shared>> -> memref<10x128xf32, #tpu.memory_space<vmem_shared>>
      tpu.wait_indirect_dma semaphore(%arg15 : memref<!tpu.dma_semaphore, #tpu.memory_space<semaphore_mem>>) src(%dma_wait3A_351 : memref<10x128xf32, #tpu.memory_space<vmem_shared>>) dst(%dma_wait3A_347 : memref<80x128xf32, #tpu.memory_space<vmem>>)
      %mul3A_352 = arith.constant 80 : i32
      %mul3A_353 = arith.muli %add3A_340, %mul3A_352 : i32
      %add3A_354 = arith.addi %mul3A_2, %mul3A_353 : i32
      %run_scoped3A_355 = arith.constant 7 : i32
      "tpu.region"() ({
        %run_scoped3A_435 = tpu.sem_alloc : memref<!tpu.dma_semaphore, #tpu.memory_space<semaphore_mem>>
        %dma_start3A_436 = arith.constant 0 : i32
        %dma_start3A_437 = arith.constant 0 : i32
        %dma_start3A_438 = tpu.memref_slice %arg6[%run_scoped3A_355, %dma_start3A_436, %dma_start3A_437] : memref<11x80x128xf32, #tpu.memory_space<vmem>> -> memref<1x80x128xf32, #tpu.memory_space<vmem>>
        %dma_start3A_439 = tpu.memref_squeeze %dma_start3A_438 : memref<1x80x128xf32, #tpu.memory_space<vmem>> -> memref<80x128xf32, #tpu.memory_space<vmem>>
        %dma_start3A_440 = arith.constant 0 : i32
        %dma_start3A_441 = tpu.memref_slice %arg4[%add3A_354, %dma_start3A_440] : memref<320000x128xf32, #tpu.memory_space<hbm>> -> memref<80x128xf32, #tpu.memory_space<hbm>>
        %dma_start3A_442 = arith.constant 0 : i32
        %dma_start3A_443 = tpu.memref_slice %arg4[%add3A_354, %dma_start3A_442] : memref<320000x128xf32, #tpu.memory_space<hbm>> -> memref<80x128xf32, #tpu.memory_space<hbm>>
        %dma_start3A_444 = arith.constant 0 : i32
        %dma_start3A_445 = arith.constant 0 : i32
        %dma_start3A_446 = tpu.memref_slice %arg6[%run_scoped3A_355, %dma_start3A_444, %dma_start3A_445] : memref<11x80x128xf32, #tpu.memory_space<vmem>> -> memref<1x80x128xf32, #tpu.memory_space<vmem>>
        %dma_start3A_447 = tpu.memref_squeeze %dma_start3A_446 : memref<1x80x128xf32, #tpu.memory_space<vmem>> -> memref<80x128xf32, #tpu.memory_space<vmem>>
        tpu.enqueue_dma source(%dma_start3A_447 : memref<80x128xf32, #tpu.memory_space<vmem>>) target(%dma_start3A_443 : memref<80x128xf32, #tpu.memory_space<hbm>>) target_semaphore(%run_scoped3A_435 : memref<!tpu.dma_semaphore, #tpu.memory_space<semaphore_mem>>)
        %dma_wait3A_448 = arith.constant 0 : i32
        %dma_wait3A_449 = arith.constant 0 : i32
        %dma_wait3A_450 = tpu.memref_slice %arg6[%run_scoped3A_355, %dma_wait3A_448, %dma_wait3A_449] : memref<11x80x128xf32, #tpu.memory_space<vmem>> -> memref<1x80x128xf32, #tpu.memory_space<vmem>>
        %dma_wait3A_451 = tpu.memref_squeeze %dma_wait3A_450 : memref<1x80x128xf32, #tpu.memory_space<vmem>> -> memref<80x128xf32, #tpu.memory_space<vmem>>
        %dma_wait3A_452 = arith.constant 0 : i32
        %dma_wait3A_453 = tpu.memref_slice %arg4[%add3A_354, %dma_wait3A_452] : memref<320000x128xf32, #tpu.memory_space<hbm>> -> memref<80x128xf32, #tpu.memory_space<hbm>>
        %dma_wait3A_454 = arith.constant 0 : i32
        %dma_wait3A_455 = tpu.memref_slice %arg4[%add3A_354, %dma_wait3A_454] : memref<320000x128xf32, #tpu.memory_space<hbm>> -> memref<80x128xf32, #tpu.memory_space<hbm>>
        %dma_wait3A_456 = arith.constant 0 : i32
        %dma_wait3A_457 = arith.constant 0 : i32
        %dma_wait3A_458 = tpu.memref_slice %arg6[%run_scoped3A_355, %dma_wait3A_456, %dma_wait3A_457] : memref<11x80x128xf32, #tpu.memory_space<vmem>> -> memref<1x80x128xf32, #tpu.memory_space<vmem>>
        %dma_wait3A_459 = tpu.memref_squeeze %dma_wait3A_458 : memref<1x80x128xf32, #tpu.memory_space<vmem>> -> memref<80x128xf32, #tpu.memory_space<vmem>>
        tpu.wait_dma2 semaphore(%run_scoped3A_435 : memref<!tpu.dma_semaphore, #tpu.memory_space<semaphore_mem>>) src(%dma_wait3A_459 : memref<80x128xf32, #tpu.memory_space<vmem>>) dst(%dma_wait3A_455 : memref<80x128xf32, #tpu.memory_space<hbm>>)
        tpu.yield
      }) : () -> ()
      %add3A_356 = arith.constant 11 : i32
      %add3A_357 = arith.addi %add3A_340, %add3A_356 : i32
      %lt3A_358 = arith.constant 125 : i32
      %lt3A_359 = arith.cmpi slt, %add3A_357, %lt3A_358 : i32
      %convert_element_type3A_360 = arith.extui %lt3A_359 : i1 to i32
      %cond3A_361 = arith.constant 0 : i32
      %cond3A_362 = arith.cmpi ne, %convert_element_type3A_360, %cond3A_361 : i32
      scf.if %cond3A_362 {
        %add3A_435 = arith.constant 11 : i32
        %add3A_436 = arith.addi %add3A_340, %add3A_435 : i32
        %mul3A_437 = arith.constant 80 : i32
        %mul3A_438 = arith.muli %add3A_436, %mul3A_437 : i32
        %dma_start3A_439 = arith.constant 7 : i32
        %dma_start3A_440 = arith.constant 0 : i32
        %dma_start3A_441 = arith.constant 0 : i32
        %dma_start3A_442 = tpu.memref_slice %arg6[%dma_start3A_439, %dma_start3A_440, %dma_start3A_441] : memref<11x80x128xf32, #tpu.memory_space<vmem>> -> memref<1x80x128xf32, #tpu.memory_space<vmem>>
        %dma_start3A_443 = tpu.memref_squeeze %dma_start3A_442 : memref<1x80x128xf32, #tpu.memory_space<vmem>> -> memref<80x128xf32, #tpu.memory_space<vmem>>
        %dma_start3A_444 = tpu.memref_slice %arg5[%mul3A_438] : memref<10000xi32, #tpu.memory_space<vmem>> -> memref<80xi32, #tpu.memory_space<vmem>>
        %dma_start3A_445 = arith.constant 0 : i32
        %dma_start3A_446 = arith.constant 0 : i32
        %dma_start3A_447 = tpu.memref_slice %arg7[%dma_start3A_445, %dma_start3A_446] : memref<10x128xf32, #tpu.memory_space<vmem_shared>> -> memref<10x128xf32, #tpu.memory_space<vmem_shared>>
        tpu.enqueue_indirect_dma source(%dma_start3A_447 : memref<10x128xf32, #tpu.memory_space<vmem_shared>>) target(%dma_start3A_443 : memref<80x128xf32, #tpu.memory_space<vmem>>) offsets(%dma_start3A_444 : memref<80xi32, #tpu.memory_space<vmem>>) semaphore(%arg15 : memref<!tpu.dma_semaphore, #tpu.memory_space<semaphore_mem>>)
      } else {
      }
      %add3A_363 = arith.constant 8 : i32
      %add3A_364 = arith.addi %mul3A_171, %add3A_363 : i32
      %mul3A_365 = arith.constant 80 : i32
      %mul3A_366 = arith.muli %add3A_364, %mul3A_365 : i32
      %dma_wait3A_367 = arith.constant 8 : i32
      %dma_wait3A_368 = arith.constant 0 : i32
      %dma_wait3A_369 = arith.constant 0 : i32
      %dma_wait3A_370 = tpu.memref_slice %arg6[%dma_wait3A_367, %dma_wait3A_368, %dma_wait3A_369] : memref<11x80x128xf32, #tpu.memory_space<vmem>> -> memref<1x80x128xf32, #tpu.memory_space<vmem>>
      %dma_wait3A_371 = tpu.memref_squeeze %dma_wait3A_370 : memref<1x80x128xf32, #tpu.memory_space<vmem>> -> memref<80x128xf32, #tpu.memory_space<vmem>>
      %dma_wait3A_372 = tpu.memref_slice %arg5[%mul3A_366] : memref<10000xi32, #tpu.memory_space<vmem>> -> memref<80xi32, #tpu.memory_space<vmem>>
      %dma_wait3A_373 = arith.constant 0 : i32
      %dma_wait3A_374 = arith.constant 0 : i32
      %dma_wait3A_375 = tpu.memref_slice %arg7[%dma_wait3A_373, %dma_wait3A_374] : memref<10x128xf32, #tpu.memory_space<vmem_shared>> -> memref<10x128xf32, #tpu.memory_space<vmem_shared>>
      tpu.wait_indirect_dma semaphore(%arg16 : memref<!tpu.dma_semaphore, #tpu.memory_space<semaphore_mem>>) src(%dma_wait3A_375 : memref<10x128xf32, #tpu.memory_space<vmem_shared>>) dst(%dma_wait3A_371 : memref<80x128xf32, #tpu.memory_space<vmem>>)
      %mul3A_376 = arith.constant 80 : i32
      %mul3A_377 = arith.muli %add3A_364, %mul3A_376 : i32
      %add3A_378 = arith.addi %mul3A_2, %mul3A_377 : i32
      %run_scoped3A_379 = arith.constant 8 : i32
      "tpu.region"() ({
        %run_scoped3A_435 = tpu.sem_alloc : memref<!tpu.dma_semaphore, #tpu.memory_space<semaphore_mem>>
        %dma_start3A_436 = arith.constant 0 : i32
        %dma_start3A_437 = arith.constant 0 : i32
        %dma_start3A_438 = tpu.memref_slice %arg6[%run_scoped3A_379, %dma_start3A_436, %dma_start3A_437] : memref<11x80x128xf32, #tpu.memory_space<vmem>> -> memref<1x80x128xf32, #tpu.memory_space<vmem>>
        %dma_start3A_439 = tpu.memref_squeeze %dma_start3A_438 : memref<1x80x128xf32, #tpu.memory_space<vmem>> -> memref<80x128xf32, #tpu.memory_space<vmem>>
        %dma_start3A_440 = arith.constant 0 : i32
        %dma_start3A_441 = tpu.memref_slice %arg4[%add3A_378, %dma_start3A_440] : memref<320000x128xf32, #tpu.memory_space<hbm>> -> memref<80x128xf32, #tpu.memory_space<hbm>>
        %dma_start3A_442 = arith.constant 0 : i32
        %dma_start3A_443 = tpu.memref_slice %arg4[%add3A_378, %dma_start3A_442] : memref<320000x128xf32, #tpu.memory_space<hbm>> -> memref<80x128xf32, #tpu.memory_space<hbm>>
        %dma_start3A_444 = arith.constant 0 : i32
        %dma_start3A_445 = arith.constant 0 : i32
        %dma_start3A_446 = tpu.memref_slice %arg6[%run_scoped3A_379, %dma_start3A_444, %dma_start3A_445] : memref<11x80x128xf32, #tpu.memory_space<vmem>> -> memref<1x80x128xf32, #tpu.memory_space<vmem>>
        %dma_start3A_447 = tpu.memref_squeeze %dma_start3A_446 : memref<1x80x128xf32, #tpu.memory_space<vmem>> -> memref<80x128xf32, #tpu.memory_space<vmem>>
        tpu.enqueue_dma source(%dma_start3A_447 : memref<80x128xf32, #tpu.memory_space<vmem>>) target(%dma_start3A_443 : memref<80x128xf32, #tpu.memory_space<hbm>>) target_semaphore(%run_scoped3A_435 : memref<!tpu.dma_semaphore, #tpu.memory_space<semaphore_mem>>)
        %dma_wait3A_448 = arith.constant 0 : i32
        %dma_wait3A_449 = arith.constant 0 : i32
        %dma_wait3A_450 = tpu.memref_slice %arg6[%run_scoped3A_379, %dma_wait3A_448, %dma_wait3A_449] : memref<11x80x128xf32, #tpu.memory_space<vmem>> -> memref<1x80x128xf32, #tpu.memory_space<vmem>>
        %dma_wait3A_451 = tpu.memref_squeeze %dma_wait3A_450 : memref<1x80x128xf32, #tpu.memory_space<vmem>> -> memref<80x128xf32, #tpu.memory_space<vmem>>
        %dma_wait3A_452 = arith.constant 0 : i32
        %dma_wait3A_453 = tpu.memref_slice %arg4[%add3A_378, %dma_wait3A_452] : memref<320000x128xf32, #tpu.memory_space<hbm>> -> memref<80x128xf32, #tpu.memory_space<hbm>>
        %dma_wait3A_454 = arith.constant 0 : i32
        %dma_wait3A_455 = tpu.memref_slice %arg4[%add3A_378, %dma_wait3A_454] : memref<320000x128xf32, #tpu.memory_space<hbm>> -> memref<80x128xf32, #tpu.memory_space<hbm>>
        %dma_wait3A_456 = arith.constant 0 : i32
        %dma_wait3A_457 = arith.constant 0 : i32
        %dma_wait3A_458 = tpu.memref_slice %arg6[%run_scoped3A_379, %dma_wait3A_456, %dma_wait3A_457] : memref<11x80x128xf32, #tpu.memory_space<vmem>> -> memref<1x80x128xf32, #tpu.memory_space<vmem>>
        %dma_wait3A_459 = tpu.memref_squeeze %dma_wait3A_458 : memref<1x80x128xf32, #tpu.memory_space<vmem>> -> memref<80x128xf32, #tpu.memory_space<vmem>>
        tpu.wait_dma2 semaphore(%run_scoped3A_435 : memref<!tpu.dma_semaphore, #tpu.memory_space<semaphore_mem>>) src(%dma_wait3A_459 : memref<80x128xf32, #tpu.memory_space<vmem>>) dst(%dma_wait3A_455 : memref<80x128xf32, #tpu.memory_space<hbm>>)
        tpu.yield
      }) : () -> ()
      %add3A_380 = arith.constant 11 : i32
      %add3A_381 = arith.addi %add3A_364, %add3A_380 : i32
      %lt3A_382 = arith.constant 125 : i32
      %lt3A_383 = arith.cmpi slt, %add3A_381, %lt3A_382 : i32
      %convert_element_type3A_384 = arith.extui %lt3A_383 : i1 to i32
      %cond3A_385 = arith.constant 0 : i32
      %cond3A_386 = arith.cmpi ne, %convert_element_type3A_384, %cond3A_385 : i32
      scf.if %cond3A_386 {
        %add3A_435 = arith.constant 11 : i32
        %add3A_436 = arith.addi %add3A_364, %add3A_435 : i32
        %mul3A_437 = arith.constant 80 : i32
        %mul3A_438 = arith.muli %add3A_436, %mul3A_437 : i32
        %dma_start3A_439 = arith.constant 8 : i32
        %dma_start3A_440 = arith.constant 0 : i32
        %dma_start3A_441 = arith.constant 0 : i32
        %dma_start3A_442 = tpu.memref_slice %arg6[%dma_start3A_439, %dma_start3A_440, %dma_start3A_441] : memref<11x80x128xf32, #tpu.memory_space<vmem>> -> memref<1x80x128xf32, #tpu.memory_space<vmem>>
        %dma_start3A_443 = tpu.memref_squeeze %dma_start3A_442 : memref<1x80x128xf32, #tpu.memory_space<vmem>> -> memref<80x128xf32, #tpu.memory_space<vmem>>
        %dma_start3A_444 = tpu.memref_slice %arg5[%mul3A_438] : memref<10000xi32, #tpu.memory_space<vmem>> -> memref<80xi32, #tpu.memory_space<vmem>>
        %dma_start3A_445 = arith.constant 0 : i32
        %dma_start3A_446 = arith.constant 0 : i32
        %dma_start3A_447 = tpu.memref_slice %arg7[%dma_start3A_445, %dma_start3A_446] : memref<10x128xf32, #tpu.memory_space<vmem_shared>> -> memref<10x128xf32, #tpu.memory_space<vmem_shared>>
        tpu.enqueue_indirect_dma source(%dma_start3A_447 : memref<10x128xf32, #tpu.memory_space<vmem_shared>>) target(%dma_start3A_443 : memref<80x128xf32, #tpu.memory_space<vmem>>) offsets(%dma_start3A_444 : memref<80xi32, #tpu.memory_space<vmem>>) semaphore(%arg16 : memref<!tpu.dma_semaphore, #tpu.memory_space<semaphore_mem>>)
      } else {
      }
      %add3A_387 = arith.constant 9 : i32
      %add3A_388 = arith.addi %mul3A_171, %add3A_387 : i32
      %mul3A_389 = arith.constant 80 : i32
      %mul3A_390 = arith.muli %add3A_388, %mul3A_389 : i32
      %dma_wait3A_391 = arith.constant 9 : i32
      %dma_wait3A_392 = arith.constant 0 : i32
      %dma_wait3A_393 = arith.constant 0 : i32
      %dma_wait3A_394 = tpu.memref_slice %arg6[%dma_wait3A_391, %dma_wait3A_392, %dma_wait3A_393] : memref<11x80x128xf32, #tpu.memory_space<vmem>> -> memref<1x80x128xf32, #tpu.memory_space<vmem>>
      %dma_wait3A_395 = tpu.memref_squeeze %dma_wait3A_394 : memref<1x80x128xf32, #tpu.memory_space<vmem>> -> memref<80x128xf32, #tpu.memory_space<vmem>>
      %dma_wait3A_396 = tpu.memref_slice %arg5[%mul3A_390] : memref<10000xi32, #tpu.memory_space<vmem>> -> memref<80xi32, #tpu.memory_space<vmem>>
      %dma_wait3A_397 = arith.constant 0 : i32
      %dma_wait3A_398 = arith.constant 0 : i32
      %dma_wait3A_399 = tpu.memref_slice %arg7[%dma_wait3A_397, %dma_wait3A_398] : memref<10x128xf32, #tpu.memory_space<vmem_shared>> -> memref<10x128xf32, #tpu.memory_space<vmem_shared>>
      tpu.wait_indirect_dma semaphore(%arg17 : memref<!tpu.dma_semaphore, #tpu.memory_space<semaphore_mem>>) src(%dma_wait3A_399 : memref<10x128xf32, #tpu.memory_space<vmem_shared>>) dst(%dma_wait3A_395 : memref<80x128xf32, #tpu.memory_space<vmem>>)
      %mul3A_400 = arith.constant 80 : i32
      %mul3A_401 = arith.muli %add3A_388, %mul3A_400 : i32
      %add3A_402 = arith.addi %mul3A_2, %mul3A_401 : i32
      %run_scoped3A_403 = arith.constant 9 : i32
      "tpu.region"() ({
        %run_scoped3A_435 = tpu.sem_alloc : memref<!tpu.dma_semaphore, #tpu.memory_space<semaphore_mem>>
        %dma_start3A_436 = arith.constant 0 : i32
        %dma_start3A_437 = arith.constant 0 : i32
        %dma_start3A_438 = tpu.memref_slice %arg6[%run_scoped3A_403, %dma_start3A_436, %dma_start3A_437] : memref<11x80x128xf32, #tpu.memory_space<vmem>> -> memref<1x80x128xf32, #tpu.memory_space<vmem>>
        %dma_start3A_439 = tpu.memref_squeeze %dma_start3A_438 : memref<1x80x128xf32, #tpu.memory_space<vmem>> -> memref<80x128xf32, #tpu.memory_space<vmem>>
        %dma_start3A_440 = arith.constant 0 : i32
        %dma_start3A_441 = tpu.memref_slice %arg4[%add3A_402, %dma_start3A_440] : memref<320000x128xf32, #tpu.memory_space<hbm>> -> memref<80x128xf32, #tpu.memory_space<hbm>>
        %dma_start3A_442 = arith.constant 0 : i32
        %dma_start3A_443 = tpu.memref_slice %arg4[%add3A_402, %dma_start3A_442] : memref<320000x128xf32, #tpu.memory_space<hbm>> -> memref<80x128xf32, #tpu.memory_space<hbm>>
        %dma_start3A_444 = arith.constant 0 : i32
        %dma_start3A_445 = arith.constant 0 : i32
        %dma_start3A_446 = tpu.memref_slice %arg6[%run_scoped3A_403, %dma_start3A_444, %dma_start3A_445] : memref<11x80x128xf32, #tpu.memory_space<vmem>> -> memref<1x80x128xf32, #tpu.memory_space<vmem>>
        %dma_start3A_447 = tpu.memref_squeeze %dma_start3A_446 : memref<1x80x128xf32, #tpu.memory_space<vmem>> -> memref<80x128xf32, #tpu.memory_space<vmem>>
        tpu.enqueue_dma source(%dma_start3A_447 : memref<80x128xf32, #tpu.memory_space<vmem>>) target(%dma_start3A_443 : memref<80x128xf32, #tpu.memory_space<hbm>>) target_semaphore(%run_scoped3A_435 : memref<!tpu.dma_semaphore, #tpu.memory_space<semaphore_mem>>)
        %dma_wait3A_448 = arith.constant 0 : i32
        %dma_wait3A_449 = arith.constant 0 : i32
        %dma_wait3A_450 = tpu.memref_slice %arg6[%run_scoped3A_403, %dma_wait3A_448, %dma_wait3A_449] : memref<11x80x128xf32, #tpu.memory_space<vmem>> -> memref<1x80x128xf32, #tpu.memory_space<vmem>>
        %dma_wait3A_451 = tpu.memref_squeeze %dma_wait3A_450 : memref<1x80x128xf32, #tpu.memory_space<vmem>> -> memref<80x128xf32, #tpu.memory_space<vmem>>
        %dma_wait3A_452 = arith.constant 0 : i32
        %dma_wait3A_453 = tpu.memref_slice %arg4[%add3A_402, %dma_wait3A_452] : memref<320000x128xf32, #tpu.memory_space<hbm>> -> memref<80x128xf32, #tpu.memory_space<hbm>>
        %dma_wait3A_454 = arith.constant 0 : i32
        %dma_wait3A_455 = tpu.memref_slice %arg4[%add3A_402, %dma_wait3A_454] : memref<320000x128xf32, #tpu.memory_space<hbm>> -> memref<80x128xf32, #tpu.memory_space<hbm>>
        %dma_wait3A_456 = arith.constant 0 : i32
        %dma_wait3A_457 = arith.constant 0 : i32
        %dma_wait3A_458 = tpu.memref_slice %arg6[%run_scoped3A_403, %dma_wait3A_456, %dma_wait3A_457] : memref<11x80x128xf32, #tpu.memory_space<vmem>> -> memref<1x80x128xf32, #tpu.memory_space<vmem>>
        %dma_wait3A_459 = tpu.memref_squeeze %dma_wait3A_458 : memref<1x80x128xf32, #tpu.memory_space<vmem>> -> memref<80x128xf32, #tpu.memory_space<vmem>>
        tpu.wait_dma2 semaphore(%run_scoped3A_435 : memref<!tpu.dma_semaphore, #tpu.memory_space<semaphore_mem>>) src(%dma_wait3A_459 : memref<80x128xf32, #tpu.memory_space<vmem>>) dst(%dma_wait3A_455 : memref<80x128xf32, #tpu.memory_space<hbm>>)
        tpu.yield
      }) : () -> ()
      %add3A_404 = arith.constant 11 : i32
      %add3A_405 = arith.addi %add3A_388, %add3A_404 : i32
      %lt3A_406 = arith.constant 125 : i32
      %lt3A_407 = arith.cmpi slt, %add3A_405, %lt3A_406 : i32
      %convert_element_type3A_408 = arith.extui %lt3A_407 : i1 to i32
      %cond3A_409 = arith.constant 0 : i32
      %cond3A_410 = arith.cmpi ne, %convert_element_type3A_408, %cond3A_409 : i32
      scf.if %cond3A_410 {
        %add3A_435 = arith.constant 11 : i32
        %add3A_436 = arith.addi %add3A_388, %add3A_435 : i32
        %mul3A_437 = arith.constant 80 : i32
        %mul3A_438 = arith.muli %add3A_436, %mul3A_437 : i32
        %dma_start3A_439 = arith.constant 9 : i32
        %dma_start3A_440 = arith.constant 0 : i32
        %dma_start3A_441 = arith.constant 0 : i32
        %dma_start3A_442 = tpu.memref_slice %arg6[%dma_start3A_439, %dma_start3A_440, %dma_start3A_441] : memref<11x80x128xf32, #tpu.memory_space<vmem>> -> memref<1x80x128xf32, #tpu.memory_space<vmem>>
        %dma_start3A_443 = tpu.memref_squeeze %dma_start3A_442 : memref<1x80x128xf32, #tpu.memory_space<vmem>> -> memref<80x128xf32, #tpu.memory_space<vmem>>
        %dma_start3A_444 = tpu.memref_slice %arg5[%mul3A_438] : memref<10000xi32, #tpu.memory_space<vmem>> -> memref<80xi32, #tpu.memory_space<vmem>>
        %dma_start3A_445 = arith.constant 0 : i32
        %dma_start3A_446 = arith.constant 0 : i32
        %dma_start3A_447 = tpu.memref_slice %arg7[%dma_start3A_445, %dma_start3A_446] : memref<10x128xf32, #tpu.memory_space<vmem_shared>> -> memref<10x128xf32, #tpu.memory_space<vmem_shared>>
        tpu.enqueue_indirect_dma source(%dma_start3A_447 : memref<10x128xf32, #tpu.memory_space<vmem_shared>>) target(%dma_start3A_443 : memref<80x128xf32, #tpu.memory_space<vmem>>) offsets(%dma_start3A_444 : memref<80xi32, #tpu.memory_space<vmem>>) semaphore(%arg17 : memref<!tpu.dma_semaphore, #tpu.memory_space<semaphore_mem>>)
      } else {
      }
      %add3A_411 = arith.constant 10 : i32
      %add3A_412 = arith.addi %mul3A_171, %add3A_411 : i32
      %mul3A_413 = arith.constant 80 : i32
      %mul3A_414 = arith.muli %add3A_412, %mul3A_413 : i32
      %dma_wait3A_415 = arith.constant 10 : i32
      %dma_wait3A_416 = arith.constant 0 : i32
      %dma_wait3A_417 = arith.constant 0 : i32
      %dma_wait3A_418 = tpu.memref_slice %arg6[%dma_wait3A_415, %dma_wait3A_416, %dma_wait3A_417] : memref<11x80x128xf32, #tpu.memory_space<vmem>> -> memref<1x80x128xf32, #tpu.memory_space<vmem>>
      %dma_wait3A_419 = tpu.memref_squeeze %dma_wait3A_418 : memref<1x80x128xf32, #tpu.memory_space<vmem>> -> memref<80x128xf32, #tpu.memory_space<vmem>>
      %dma_wait3A_420 = tpu.memref_slice %arg5[%mul3A_414] : memref<10000xi32, #tpu.memory_space<vmem>> -> memref<80xi32, #tpu.memory_space<vmem>>
      %dma_wait3A_421 = arith.constant 0 : i32
      %dma_wait3A_422 = arith.constant 0 : i32
      %dma_wait3A_423 = tpu.memref_slice %arg7[%dma_wait3A_421, %dma_wait3A_422] : memref<10x128xf32, #tpu.memory_space<vmem_shared>> -> memref<10x128xf32, #tpu.memory_space<vmem_shared>>
      tpu.wait_indirect_dma semaphore(%arg18 : memref<!tpu.dma_semaphore, #tpu.memory_space<semaphore_mem>>) src(%dma_wait3A_423 : memref<10x128xf32, #tpu.memory_space<vmem_shared>>) dst(%dma_wait3A_419 : memref<80x128xf32, #tpu.memory_space<vmem>>)
      %mul3A_424 = arith.constant 80 : i32
      %mul3A_425 = arith.muli %add3A_412, %mul3A_424 : i32
      %add3A_426 = arith.addi %mul3A_2, %mul3A_425 : i32
      %run_scoped3A_427 = arith.constant 10 : i32
      "tpu.region"() ({
        %run_scoped3A_435 = tpu.sem_alloc : memref<!tpu.dma_semaphore, #tpu.memory_space<semaphore_mem>>
        %dma_start3A_436 = arith.constant 0 : i32
        %dma_start3A_437 = arith.constant 0 : i32
        %dma_start3A_438 = tpu.memref_slice %arg6[%run_scoped3A_427, %dma_start3A_436, %dma_start3A_437] : memref<11x80x128xf32, #tpu.memory_space<vmem>> -> memref<1x80x128xf32, #tpu.memory_space<vmem>>
        %dma_start3A_439 = tpu.memref_squeeze %dma_start3A_438 : memref<1x80x128xf32, #tpu.memory_space<vmem>> -> memref<80x128xf32, #tpu.memory_space<vmem>>
        %dma_start3A_440 = arith.constant 0 : i32
        %dma_start3A_441 = tpu.memref_slice %arg4[%add3A_426, %dma_start3A_440] : memref<320000x128xf32, #tpu.memory_space<hbm>> -> memref<80x128xf32, #tpu.memory_space<hbm>>
        %dma_start3A_442 = arith.constant 0 : i32
        %dma_start3A_443 = tpu.memref_slice %arg4[%add3A_426, %dma_start3A_442] : memref<320000x128xf32, #tpu.memory_space<hbm>> -> memref<80x128xf32, #tpu.memory_space<hbm>>
        %dma_start3A_444 = arith.constant 0 : i32
        %dma_start3A_445 = arith.constant 0 : i32
        %dma_start3A_446 = tpu.memref_slice %arg6[%run_scoped3A_427, %dma_start3A_444, %dma_start3A_445] : memref<11x80x128xf32, #tpu.memory_space<vmem>> -> memref<1x80x128xf32, #tpu.memory_space<vmem>>
        %dma_start3A_447 = tpu.memref_squeeze %dma_start3A_446 : memref<1x80x128xf32, #tpu.memory_space<vmem>> -> memref<80x128xf32, #tpu.memory_space<vmem>>
        tpu.enqueue_dma source(%dma_start3A_447 : memref<80x128xf32, #tpu.memory_space<vmem>>) target(%dma_start3A_443 : memref<80x128xf32, #tpu.memory_space<hbm>>) target_semaphore(%run_scoped3A_435 : memref<!tpu.dma_semaphore, #tpu.memory_space<semaphore_mem>>)
        %dma_wait3A_448 = arith.constant 0 : i32
        %dma_wait3A_449 = arith.constant 0 : i32
        %dma_wait3A_450 = tpu.memref_slice %arg6[%run_scoped3A_427, %dma_wait3A_448, %dma_wait3A_449] : memref<11x80x128xf32, #tpu.memory_space<vmem>> -> memref<1x80x128xf32, #tpu.memory_space<vmem>>
        %dma_wait3A_451 = tpu.memref_squeeze %dma_wait3A_450 : memref<1x80x128xf32, #tpu.memory_space<vmem>> -> memref<80x128xf32, #tpu.memory_space<vmem>>
        %dma_wait3A_452 = arith.constant 0 : i32
        %dma_wait3A_453 = tpu.memref_slice %arg4[%add3A_426, %dma_wait3A_452] : memref<320000x128xf32, #tpu.memory_space<hbm>> -> memref<80x128xf32, #tpu.memory_space<hbm>>
        %dma_wait3A_454 = arith.constant 0 : i32
        %dma_wait3A_455 = tpu.memref_slice %arg4[%add3A_426, %dma_wait3A_454] : memref<320000x128xf32, #tpu.memory_space<hbm>> -> memref<80x128xf32, #tpu.memory_space<hbm>>
        %dma_wait3A_456 = arith.constant 0 : i32
        %dma_wait3A_457 = arith.constant 0 : i32
        %dma_wait3A_458 = tpu.memref_slice %arg6[%run_scoped3A_427, %dma_wait3A_456, %dma_wait3A_457] : memref<11x80x128xf32, #tpu.memory_space<vmem>> -> memref<1x80x128xf32, #tpu.memory_space<vmem>>
        %dma_wait3A_459 = tpu.memref_squeeze %dma_wait3A_458 : memref<1x80x128xf32, #tpu.memory_space<vmem>> -> memref<80x128xf32, #tpu.memory_space<vmem>>
        tpu.wait_dma2 semaphore(%run_scoped3A_435 : memref<!tpu.dma_semaphore, #tpu.memory_space<semaphore_mem>>) src(%dma_wait3A_459 : memref<80x128xf32, #tpu.memory_space<vmem>>) dst(%dma_wait3A_455 : memref<80x128xf32, #tpu.memory_space<hbm>>)
        tpu.yield
      }) : () -> ()
      %add3A_428 = arith.constant 11 : i32
      %add3A_429 = arith.addi %add3A_412, %add3A_428 : i32
      %lt3A_430 = arith.constant 125 : i32
      %lt3A_431 = arith.cmpi slt, %add3A_429, %lt3A_430 : i32
      %convert_element_type3A_432 = arith.extui %lt3A_431 : i1 to i32
      %cond3A_433 = arith.constant 0 : i32
      %cond3A_434 = arith.cmpi ne, %convert_element_type3A_432, %cond3A_433 : i32
      scf.if %cond3A_434 {
        %add3A_435 = arith.constant 11 : i32
        %add3A_436 = arith.addi %add3A_412, %add3A_435 : i32
        %mul3A_437 = arith.constant 80 : i32
        %mul3A_438 = arith.muli %add3A_436, %mul3A_437 : i32
        %dma_start3A_439 = arith.constant 10 : i32
        %dma_start3A_440 = arith.constant 0 : i32
        %dma_start3A_441 = arith.constant 0 : i32
        %dma_start3A_442 = tpu.memref_slice %arg6[%dma_start3A_439, %dma_start3A_440, %dma_start3A_441] : memref<11x80x128xf32, #tpu.memory_space<vmem>> -> memref<1x80x128xf32, #tpu.memory_space<vmem>>
        %dma_start3A_443 = tpu.memref_squeeze %dma_start3A_442 : memref<1x80x128xf32, #tpu.memory_space<vmem>> -> memref<80x128xf32, #tpu.memory_space<vmem>>
        %dma_start3A_444 = tpu.memref_slice %arg5[%mul3A_438] : memref<10000xi32, #tpu.memory_space<vmem>> -> memref<80xi32, #tpu.memory_space<vmem>>
        %dma_start3A_445 = arith.constant 0 : i32
        %dma_start3A_446 = arith.constant 0 : i32
        %dma_start3A_447 = tpu.memref_slice %arg7[%dma_start3A_445, %dma_start3A_446] : memref<10x128xf32, #tpu.memory_space<vmem_shared>> -> memref<10x128xf32, #tpu.memory_space<vmem_shared>>
        tpu.enqueue_indirect_dma source(%dma_start3A_447 : memref<10x128xf32, #tpu.memory_space<vmem_shared>>) target(%dma_start3A_443 : memref<80x128xf32, #tpu.memory_space<vmem>>) offsets(%dma_start3A_444 : memref<80xi32, #tpu.memory_space<vmem>>) semaphore(%arg18 : memref<!tpu.dma_semaphore, #tpu.memory_space<semaphore_mem>>)
      } else {
      }
    }
    %scan3A_118 = arith.constant 11 : i32
    %dma_wait3A = arith.constant 0 : i32
    %dma_wait3A_119 = arith.constant 0 : i32
    %dma_wait3A_120 = arith.constant 0 : i32
    %dma_wait3A_121 = tpu.memref_slice %arg6[%dma_wait3A, %dma_wait3A_119, %dma_wait3A_120] : memref<11x80x128xf32, #tpu.memory_space<vmem>> -> memref<1x80x128xf32, #tpu.memory_space<vmem>>
    %dma_wait3A_122 = tpu.memref_squeeze %dma_wait3A_121 : memref<1x80x128xf32, #tpu.memory_space<vmem>> -> memref<80x128xf32, #tpu.memory_space<vmem>>
    %dma_wait3A_123 = arith.constant 9680 : i32
    %dma_wait3A_124 = tpu.memref_slice %arg5[%dma_wait3A_123] : memref<10000xi32, #tpu.memory_space<vmem>> -> memref<80xi32, #tpu.memory_space<vmem>>
    %dma_wait3A_125 = arith.constant 0 : i32
    %dma_wait3A_126 = arith.constant 0 : i32
    %dma_wait3A_127 = tpu.memref_slice %arg7[%dma_wait3A_125, %dma_wait3A_126] : memref<10x128xf32, #tpu.memory_space<vmem_shared>> -> memref<10x128xf32, #tpu.memory_space<vmem_shared>>
    tpu.wait_indirect_dma semaphore(%arg8 : memref<!tpu.dma_semaphore, #tpu.memory_space<semaphore_mem>>) src(%dma_wait3A_127 : memref<10x128xf32, #tpu.memory_space<vmem_shared>>) dst(%dma_wait3A_122 : memref<80x128xf32, #tpu.memory_space<vmem>>)
    %add3A_128 = arith.constant 9680 : i32
    %add3A_129 = arith.addi %mul3A_2, %add3A_128 : i32
    %run_scoped3A = arith.constant 0 : i32
    "tpu.region"() ({
      %run_scoped3A_169 = tpu.sem_alloc : memref<!tpu.dma_semaphore, #tpu.memory_space<semaphore_mem>>
      %dma_start3A_170 = arith.constant 0 : i32
      %dma_start3A_171 = arith.constant 0 : i32
      %dma_start3A_172 = tpu.memref_slice %arg6[%run_scoped3A, %dma_start3A_170, %dma_start3A_171] : memref<11x80x128xf32, #tpu.memory_space<vmem>> -> memref<1x80x128xf32, #tpu.memory_space<vmem>>
      %dma_start3A_173 = tpu.memref_squeeze %dma_start3A_172 : memref<1x80x128xf32, #tpu.memory_space<vmem>> -> memref<80x128xf32, #tpu.memory_space<vmem>>
      %dma_start3A_174 = arith.constant 0 : i32
      %dma_start3A_175 = tpu.memref_slice %arg4[%add3A_129, %dma_start3A_174] : memref<320000x128xf32, #tpu.memory_space<hbm>> -> memref<80x128xf32, #tpu.memory_space<hbm>>
      %dma_start3A_176 = arith.constant 0 : i32
      %dma_start3A_177 = tpu.memref_slice %arg4[%add3A_129, %dma_start3A_176] : memref<320000x128xf32, #tpu.memory_space<hbm>> -> memref<80x128xf32, #tpu.memory_space<hbm>>
      %dma_start3A_178 = arith.constant 0 : i32
      %dma_start3A_179 = arith.constant 0 : i32
      %dma_start3A_180 = tpu.memref_slice %arg6[%run_scoped3A, %dma_start3A_178, %dma_start3A_179] : memref<11x80x128xf32, #tpu.memory_space<vmem>> -> memref<1x80x128xf32, #tpu.memory_space<vmem>>
      %dma_start3A_181 = tpu.memref_squeeze %dma_start3A_180 : memref<1x80x128xf32, #tpu.memory_space<vmem>> -> memref<80x128xf32, #tpu.memory_space<vmem>>
      tpu.enqueue_dma source(%dma_start3A_181 : memref<80x128xf32, #tpu.memory_space<vmem>>) target(%dma_start3A_177 : memref<80x128xf32, #tpu.memory_space<hbm>>) target_semaphore(%run_scoped3A_169 : memref<!tpu.dma_semaphore, #tpu.memory_space<semaphore_mem>>)
      %dma_wait3A_182 = arith.constant 0 : i32
      %dma_wait3A_183 = arith.constant 0 : i32
      %dma_wait3A_184 = tpu.memref_slice %arg6[%run_scoped3A, %dma_wait3A_182, %dma_wait3A_183] : memref<11x80x128xf32, #tpu.memory_space<vmem>> -> memref<1x80x128xf32, #tpu.memory_space<vmem>>
      %dma_wait3A_185 = tpu.memref_squeeze %dma_wait3A_184 : memref<1x80x128xf32, #tpu.memory_space<vmem>> -> memref<80x128xf32, #tpu.memory_space<vmem>>
      %dma_wait3A_186 = arith.constant 0 : i32
      %dma_wait3A_187 = tpu.memref_slice %arg4[%add3A_129, %dma_wait3A_186] : memref<320000x128xf32, #tpu.memory_space<hbm>> -> memref<80x128xf32, #tpu.memory_space<hbm>>
      %dma_wait3A_188 = arith.constant 0 : i32
      %dma_wait3A_189 = tpu.memref_slice %arg4[%add3A_129, %dma_wait3A_188] : memref<320000x128xf32, #tpu.memory_space<hbm>> -> memref<80x128xf32, #tpu.memory_space<hbm>>
      %dma_wait3A_190 = arith.constant 0 : i32
      %dma_wait3A_191 = arith.constant 0 : i32
      %dma_wait3A_192 = tpu.memref_slice %arg6[%run_scoped3A, %dma_wait3A_190, %dma_wait3A_191] : memref<11x80x128xf32, #tpu.memory_space<vmem>> -> memref<1x80x128xf32, #tpu.memory_space<vmem>>
      %dma_wait3A_193 = tpu.memref_squeeze %dma_wait3A_192 : memref<1x80x128xf32, #tpu.memory_space<vmem>> -> memref<80x128xf32, #tpu.memory_space<vmem>>
      tpu.wait_dma2 semaphore(%run_scoped3A_169 : memref<!tpu.dma_semaphore, #tpu.memory_space<semaphore_mem>>) src(%dma_wait3A_193 : memref<80x128xf32, #tpu.memory_space<vmem>>) dst(%dma_wait3A_189 : memref<80x128xf32, #tpu.memory_space<hbm>>)
      tpu.yield
    }) : () -> ()
    %dma_wait3A_130 = arith.constant 1 : i32
    %dma_wait3A_131 = arith.constant 0 : i32
    %dma_wait3A_132 = arith.constant 0 : i32
    %dma_wait3A_133 = tpu.memref_slice %arg6[%dma_wait3A_130, %dma_wait3A_131, %dma_wait3A_132] : memref<11x80x128xf32, #tpu.memory_space<vmem>> -> memref<1x80x128xf32, #tpu.memory_space<vmem>>
    %dma_wait3A_134 = tpu.memref_squeeze %dma_wait3A_133 : memref<1x80x128xf32, #tpu.memory_space<vmem>> -> memref<80x128xf32, #tpu.memory_space<vmem>>
    %dma_wait3A_135 = arith.constant 9760 : i32
    %dma_wait3A_136 = tpu.memref_slice %arg5[%dma_wait3A_135] : memref<10000xi32, #tpu.memory_space<vmem>> -> memref<80xi32, #tpu.memory_space<vmem>>
    %dma_wait3A_137 = arith.constant 0 : i32
    %dma_wait3A_138 = arith.constant 0 : i32
    %dma_wait3A_139 = tpu.memref_slice %arg7[%dma_wait3A_137, %dma_wait3A_138] : memref<10x128xf32, #tpu.memory_space<vmem_shared>> -> memref<10x128xf32, #tpu.memory_space<vmem_shared>>
    tpu.wait_indirect_dma semaphore(%arg9 : memref<!tpu.dma_semaphore, #tpu.memory_space<semaphore_mem>>) src(%dma_wait3A_139 : memref<10x128xf32, #tpu.memory_space<vmem_shared>>) dst(%dma_wait3A_134 : memref<80x128xf32, #tpu.memory_space<vmem>>)
    %add3A_140 = arith.constant 9760 : i32
    %add3A_141 = arith.addi %mul3A_2, %add3A_140 : i32
    %run_scoped3A_142 = arith.constant 1 : i32
    "tpu.region"() ({
      %run_scoped3A_169 = tpu.sem_alloc : memref<!tpu.dma_semaphore, #tpu.memory_space<semaphore_mem>>
      %dma_start3A_170 = arith.constant 0 : i32
      %dma_start3A_171 = arith.constant 0 : i32
      %dma_start3A_172 = tpu.memref_slice %arg6[%run_scoped3A_142, %dma_start3A_170, %dma_start3A_171] : memref<11x80x128xf32, #tpu.memory_space<vmem>> -> memref<1x80x128xf32, #tpu.memory_space<vmem>>
      %dma_start3A_173 = tpu.memref_squeeze %dma_start3A_172 : memref<1x80x128xf32, #tpu.memory_space<vmem>> -> memref<80x128xf32, #tpu.memory_space<vmem>>
      %dma_start3A_174 = arith.constant 0 : i32
      %dma_start3A_175 = tpu.memref_slice %arg4[%add3A_141, %dma_start3A_174] : memref<320000x128xf32, #tpu.memory_space<hbm>> -> memref<80x128xf32, #tpu.memory_space<hbm>>
      %dma_start3A_176 = arith.constant 0 : i32
      %dma_start3A_177 = tpu.memref_slice %arg4[%add3A_141, %dma_start3A_176] : memref<320000x128xf32, #tpu.memory_space<hbm>> -> memref<80x128xf32, #tpu.memory_space<hbm>>
      %dma_start3A_178 = arith.constant 0 : i32
      %dma_start3A_179 = arith.constant 0 : i32
      %dma_start3A_180 = tpu.memref_slice %arg6[%run_scoped3A_142, %dma_start3A_178, %dma_start3A_179] : memref<11x80x128xf32, #tpu.memory_space<vmem>> -> memref<1x80x128xf32, #tpu.memory_space<vmem>>
      %dma_start3A_181 = tpu.memref_squeeze %dma_start3A_180 : memref<1x80x128xf32, #tpu.memory_space<vmem>> -> memref<80x128xf32, #tpu.memory_space<vmem>>
      tpu.enqueue_dma source(%dma_start3A_181 : memref<80x128xf32, #tpu.memory_space<vmem>>) target(%dma_start3A_177 : memref<80x128xf32, #tpu.memory_space<hbm>>) target_semaphore(%run_scoped3A_169 : memref<!tpu.dma_semaphore, #tpu.memory_space<semaphore_mem>>)
      %dma_wait3A_182 = arith.constant 0 : i32
      %dma_wait3A_183 = arith.constant 0 : i32
      %dma_wait3A_184 = tpu.memref_slice %arg6[%run_scoped3A_142, %dma_wait3A_182, %dma_wait3A_183] : memref<11x80x128xf32, #tpu.memory_space<vmem>> -> memref<1x80x128xf32, #tpu.memory_space<vmem>>
      %dma_wait3A_185 = tpu.memref_squeeze %dma_wait3A_184 : memref<1x80x128xf32, #tpu.memory_space<vmem>> -> memref<80x128xf32, #tpu.memory_space<vmem>>
      %dma_wait3A_186 = arith.constant 0 : i32
      %dma_wait3A_187 = tpu.memref_slice %arg4[%add3A_141, %dma_wait3A_186] : memref<320000x128xf32, #tpu.memory_space<hbm>> -> memref<80x128xf32, #tpu.memory_space<hbm>>
      %dma_wait3A_188 = arith.constant 0 : i32
      %dma_wait3A_189 = tpu.memref_slice %arg4[%add3A_141, %dma_wait3A_188] : memref<320000x128xf32, #tpu.memory_space<hbm>> -> memref<80x128xf32, #tpu.memory_space<hbm>>
      %dma_wait3A_190 = arith.constant 0 : i32
      %dma_wait3A_191 = arith.constant 0 : i32
      %dma_wait3A_192 = tpu.memref_slice %arg6[%run_scoped3A_142, %dma_wait3A_190, %dma_wait3A_191] : memref<11x80x128xf32, #tpu.memory_space<vmem>> -> memref<1x80x128xf32, #tpu.memory_space<vmem>>
      %dma_wait3A_193 = tpu.memref_squeeze %dma_wait3A_192 : memref<1x80x128xf32, #tpu.memory_space<vmem>> -> memref<80x128xf32, #tpu.memory_space<vmem>>
      tpu.wait_dma2 semaphore(%run_scoped3A_169 : memref<!tpu.dma_semaphore, #tpu.memory_space<semaphore_mem>>) src(%dma_wait3A_193 : memref<80x128xf32, #tpu.memory_space<vmem>>) dst(%dma_wait3A_189 : memref<80x128xf32, #tpu.memory_space<hbm>>)
      tpu.yield
    }) : () -> ()
    %dma_wait3A_143 = arith.constant 2 : i32
    %dma_wait3A_144 = arith.constant 0 : i32
    %dma_wait3A_145 = arith.constant 0 : i32
    %dma_wait3A_146 = tpu.memref_slice %arg6[%dma_wait3A_143, %dma_wait3A_144, %dma_wait3A_145] : memref<11x80x128xf32, #tpu.memory_space<vmem>> -> memref<1x80x128xf32, #tpu.memory_space<vmem>>
    %dma_wait3A_147 = tpu.memref_squeeze %dma_wait3A_146 : memref<1x80x128xf32, #tpu.memory_space<vmem>> -> memref<80x128xf32, #tpu.memory_space<vmem>>
    %dma_wait3A_148 = arith.constant 9840 : i32
    %dma_wait3A_149 = tpu.memref_slice %arg5[%dma_wait3A_148] : memref<10000xi32, #tpu.memory_space<vmem>> -> memref<80xi32, #tpu.memory_space<vmem>>
    %dma_wait3A_150 = arith.constant 0 : i32
    %dma_wait3A_151 = arith.constant 0 : i32
    %dma_wait3A_152 = tpu.memref_slice %arg7[%dma_wait3A_150, %dma_wait3A_151] : memref<10x128xf32, #tpu.memory_space<vmem_shared>> -> memref<10x128xf32, #tpu.memory_space<vmem_shared>>
    tpu.wait_indirect_dma semaphore(%arg10 : memref<!tpu.dma_semaphore, #tpu.memory_space<semaphore_mem>>) src(%dma_wait3A_152 : memref<10x128xf32, #tpu.memory_space<vmem_shared>>) dst(%dma_wait3A_147 : memref<80x128xf32, #tpu.memory_space<vmem>>)
    %add3A_153 = arith.constant 9840 : i32
    %add3A_154 = arith.addi %mul3A_2, %add3A_153 : i32
    %run_scoped3A_155 = arith.constant 2 : i32
    "tpu.region"() ({
      %run_scoped3A_169 = tpu.sem_alloc : memref<!tpu.dma_semaphore, #tpu.memory_space<semaphore_mem>>
      %dma_start3A_170 = arith.constant 0 : i32
      %dma_start3A_171 = arith.constant 0 : i32
      %dma_start3A_172 = tpu.memref_slice %arg6[%run_scoped3A_155, %dma_start3A_170, %dma_start3A_171] : memref<11x80x128xf32, #tpu.memory_space<vmem>> -> memref<1x80x128xf32, #tpu.memory_space<vmem>>
      %dma_start3A_173 = tpu.memref_squeeze %dma_start3A_172 : memref<1x80x128xf32, #tpu.memory_space<vmem>> -> memref<80x128xf32, #tpu.memory_space<vmem>>
      %dma_start3A_174 = arith.constant 0 : i32
      %dma_start3A_175 = tpu.memref_slice %arg4[%add3A_154, %dma_start3A_174] : memref<320000x128xf32, #tpu.memory_space<hbm>> -> memref<80x128xf32, #tpu.memory_space<hbm>>
      %dma_start3A_176 = arith.constant 0 : i32
      %dma_start3A_177 = tpu.memref_slice %arg4[%add3A_154, %dma_start3A_176] : memref<320000x128xf32, #tpu.memory_space<hbm>> -> memref<80x128xf32, #tpu.memory_space<hbm>>
      %dma_start3A_178 = arith.constant 0 : i32
      %dma_start3A_179 = arith.constant 0 : i32
      %dma_start3A_180 = tpu.memref_slice %arg6[%run_scoped3A_155, %dma_start3A_178, %dma_start3A_179] : memref<11x80x128xf32, #tpu.memory_space<vmem>> -> memref<1x80x128xf32, #tpu.memory_space<vmem>>
      %dma_start3A_181 = tpu.memref_squeeze %dma_start3A_180 : memref<1x80x128xf32, #tpu.memory_space<vmem>> -> memref<80x128xf32, #tpu.memory_space<vmem>>
      tpu.enqueue_dma source(%dma_start3A_181 : memref<80x128xf32, #tpu.memory_space<vmem>>) target(%dma_start3A_177 : memref<80x128xf32, #tpu.memory_space<hbm>>) target_semaphore(%run_scoped3A_169 : memref<!tpu.dma_semaphore, #tpu.memory_space<semaphore_mem>>)
      %dma_wait3A_182 = arith.constant 0 : i32
      %dma_wait3A_183 = arith.constant 0 : i32
      %dma_wait3A_184 = tpu.memref_slice %arg6[%run_scoped3A_155, %dma_wait3A_182, %dma_wait3A_183] : memref<11x80x128xf32, #tpu.memory_space<vmem>> -> memref<1x80x128xf32, #tpu.memory_space<vmem>>
      %dma_wait3A_185 = tpu.memref_squeeze %dma_wait3A_184 : memref<1x80x128xf32, #tpu.memory_space<vmem>> -> memref<80x128xf32, #tpu.memory_space<vmem>>
      %dma_wait3A_186 = arith.constant 0 : i32
      %dma_wait3A_187 = tpu.memref_slice %arg4[%add3A_154, %dma_wait3A_186] : memref<320000x128xf32, #tpu.memory_space<hbm>> -> memref<80x128xf32, #tpu.memory_space<hbm>>
      %dma_wait3A_188 = arith.constant 0 : i32
      %dma_wait3A_189 = tpu.memref_slice %arg4[%add3A_154, %dma_wait3A_188] : memref<320000x128xf32, #tpu.memory_space<hbm>> -> memref<80x128xf32, #tpu.memory_space<hbm>>
      %dma_wait3A_190 = arith.constant 0 : i32
      %dma_wait3A_191 = arith.constant 0 : i32
      %dma_wait3A_192 = tpu.memref_slice %arg6[%run_scoped3A_155, %dma_wait3A_190, %dma_wait3A_191] : memref<11x80x128xf32, #tpu.memory_space<vmem>> -> memref<1x80x128xf32, #tpu.memory_space<vmem>>
      %dma_wait3A_193 = tpu.memref_squeeze %dma_wait3A_192 : memref<1x80x128xf32, #tpu.memory_space<vmem>> -> memref<80x128xf32, #tpu.memory_space<vmem>>
      tpu.wait_dma2 semaphore(%run_scoped3A_169 : memref<!tpu.dma_semaphore, #tpu.memory_space<semaphore_mem>>) src(%dma_wait3A_193 : memref<80x128xf32, #tpu.memory_space<vmem>>) dst(%dma_wait3A_189 : memref<80x128xf32, #tpu.memory_space<hbm>>)
      tpu.yield
    }) : () -> ()
    %dma_wait3A_156 = arith.constant 3 : i32
    %dma_wait3A_157 = arith.constant 0 : i32
    %dma_wait3A_158 = arith.constant 0 : i32
    %dma_wait3A_159 = tpu.memref_slice %arg6[%dma_wait3A_156, %dma_wait3A_157, %dma_wait3A_158] : memref<11x80x128xf32, #tpu.memory_space<vmem>> -> memref<1x80x128xf32, #tpu.memory_space<vmem>>
    %dma_wait3A_160 = tpu.memref_squeeze %dma_wait3A_159 : memref<1x80x128xf32, #tpu.memory_space<vmem>> -> memref<80x128xf32, #tpu.memory_space<vmem>>
    %dma_wait3A_161 = arith.constant 9920 : i32
    %dma_wait3A_162 = tpu.memref_slice %arg5[%dma_wait3A_161] : memref<10000xi32, #tpu.memory_space<vmem>> -> memref<80xi32, #tpu.memory_space<vmem>>
    %dma_wait3A_163 = arith.constant 0 : i32
    %dma_wait3A_164 = arith.constant 0 : i32
    %dma_wait3A_165 = tpu.memref_slice %arg7[%dma_wait3A_163, %dma_wait3A_164] : memref<10x128xf32, #tpu.memory_space<vmem_shared>> -> memref<10x128xf32, #tpu.memory_space<vmem_shared>>
    tpu.wait_indirect_dma semaphore(%arg11 : memref<!tpu.dma_semaphore, #tpu.memory_space<semaphore_mem>>) src(%dma_wait3A_165 : memref<10x128xf32, #tpu.memory_space<vmem_shared>>) dst(%dma_wait3A_160 : memref<80x128xf32, #tpu.memory_space<vmem>>)
    %add3A_166 = arith.constant 9920 : i32
    %add3A_167 = arith.addi %mul3A_2, %add3A_166 : i32
    %run_scoped3A_168 = arith.constant 3 : i32
    "tpu.region"() ({
      %run_scoped3A_169 = tpu.sem_alloc : memref<!tpu.dma_semaphore, #tpu.memory_space<semaphore_mem>>
      %dma_start3A_170 = arith.constant 0 : i32
      %dma_start3A_171 = arith.constant 0 : i32
      %dma_start3A_172 = tpu.memref_slice %arg6[%run_scoped3A_168, %dma_start3A_170, %dma_start3A_171] : memref<11x80x128xf32, #tpu.memory_space<vmem>> -> memref<1x80x128xf32, #tpu.memory_space<vmem>>
      %dma_start3A_173 = tpu.memref_squeeze %dma_start3A_172 : memref<1x80x128xf32, #tpu.memory_space<vmem>> -> memref<80x128xf32, #tpu.memory_space<vmem>>
      %dma_start3A_174 = arith.constant 0 : i32
      %dma_start3A_175 = tpu.memref_slice %arg4[%add3A_167, %dma_start3A_174] : memref<320000x128xf32, #tpu.memory_space<hbm>> -> memref<80x128xf32, #tpu.memory_space<hbm>>
      %dma_start3A_176 = arith.constant 0 : i32
      %dma_start3A_177 = tpu.memref_slice %arg4[%add3A_167, %dma_start3A_176] : memref<320000x128xf32, #tpu.memory_space<hbm>> -> memref<80x128xf32, #tpu.memory_space<hbm>>
      %dma_start3A_178 = arith.constant 0 : i32
      %dma_start3A_179 = arith.constant 0 : i32
      %dma_start3A_180 = tpu.memref_slice %arg6[%run_scoped3A_168, %dma_start3A_178, %dma_start3A_179] : memref<11x80x128xf32, #tpu.memory_space<vmem>> -> memref<1x80x128xf32, #tpu.memory_space<vmem>>
      %dma_start3A_181 = tpu.memref_squeeze %dma_start3A_180 : memref<1x80x128xf32, #tpu.memory_space<vmem>> -> memref<80x128xf32, #tpu.memory_space<vmem>>
      tpu.enqueue_dma source(%dma_start3A_181 : memref<80x128xf32, #tpu.memory_space<vmem>>) target(%dma_start3A_177 : memref<80x128xf32, #tpu.memory_space<hbm>>) target_semaphore(%run_scoped3A_169 : memref<!tpu.dma_semaphore, #tpu.memory_space<semaphore_mem>>)
      %dma_wait3A_182 = arith.constant 0 : i32
      %dma_wait3A_183 = arith.constant 0 : i32
      %dma_wait3A_184 = tpu.memref_slice %arg6[%run_scoped3A_168, %dma_wait3A_182, %dma_wait3A_183] : memref<11x80x128xf32, #tpu.memory_space<vmem>> -> memref<1x80x128xf32, #tpu.memory_space<vmem>>
      %dma_wait3A_185 = tpu.memref_squeeze %dma_wait3A_184 : memref<1x80x128xf32, #tpu.memory_space<vmem>> -> memref<80x128xf32, #tpu.memory_space<vmem>>
      %dma_wait3A_186 = arith.constant 0 : i32
      %dma_wait3A_187 = tpu.memref_slice %arg4[%add3A_167, %dma_wait3A_186] : memref<320000x128xf32, #tpu.memory_space<hbm>> -> memref<80x128xf32, #tpu.memory_space<hbm>>
      %dma_wait3A_188 = arith.constant 0 : i32
      %dma_wait3A_189 = tpu.memref_slice %arg4[%add3A_167, %dma_wait3A_188] : memref<320000x128xf32, #tpu.memory_space<hbm>> -> memref<80x128xf32, #tpu.memory_space<hbm>>
      %dma_wait3A_190 = arith.constant 0 : i32
      %dma_wait3A_191 = arith.constant 0 : i32
      %dma_wait3A_192 = tpu.memref_slice %arg6[%run_scoped3A_168, %dma_wait3A_190, %dma_wait3A_191] : memref<11x80x128xf32, #tpu.memory_space<vmem>> -> memref<1x80x128xf32, #tpu.memory_space<vmem>>
      %dma_wait3A_193 = tpu.memref_squeeze %dma_wait3A_192 : memref<1x80x128xf32, #tpu.memory_space<vmem>> -> memref<80x128xf32, #tpu.memory_space<vmem>>
      tpu.wait_dma2 semaphore(%run_scoped3A_169 : memref<!tpu.dma_semaphore, #tpu.memory_space<semaphore_mem>>) src(%dma_wait3A_193 : memref<80x128xf32, #tpu.memory_space<vmem>>) dst(%dma_wait3A_189 : memref<80x128xf32, #tpu.memory_space<hbm>>)
      tpu.yield
    }) : () -> ()
    return
  }
}

module attributes {stable_mosaic.version = 14 : i64} {
  func.func @_node_body(%arg0: i32, %arg1: memref<10000x1xi32, #tpu.memory_space<vmem>>, %arg2: memref<10000x16xf32, #tpu.memory_space<vmem>>, %arg3: memref<100x128xf32, #tpu.memory_space<vmem>>, %arg4: memref<16x128xf32, #tpu.memory_space<vmem>>, %arg5: memref<1x128xf32, #tpu.memory_space<vmem>>, %arg6: memref<10000x128xf32, #tpu.memory_space<vmem>>) attributes {dimension_semantics = [#tpu.dimension_semantics<arbitrary>], iteration_bounds = array<i64: 1>, scalar_prefetch = 0 : i64, scratch_operands = 0 : i64, tpu.core_type = #tpu.core_type<tc>, window_params = [{transform_indices = @transform_0, window_bounds = array<i64: 10000, 1>}, {transform_indices = @transform_1, window_bounds = array<i64: 10000, 16>}, {pipeline_mode = #tpu.pipeline_mode<synchronous>, transform_indices = @transform_2, window_bounds = array<i64: 100, 128>}, {pipeline_mode = #tpu.pipeline_mode<synchronous>, transform_indices = @transform_3, window_bounds = array<i64: 16, 128>}, {pipeline_mode = #tpu.pipeline_mode<synchronous>, transform_indices = @transform_4, window_bounds = array<i64: 1, 128>}, {transform_indices = @transform_5, window_bounds = array<i64: 10000, 128>}]} {
    %get3A = arith.constant 0 : index
    %get3A_0 = arith.constant 0 : index
    %get3A_1 = vector.load %arg1[%get3A, %get3A_0] : memref<10000x1xi32, #tpu.memory_space<vmem>>, vector<10000x1xi32>
    %iota3A = tpu.iota {dimensions = array<i32: 1>} : vector<10000x100xi32>
    %eq3A = vector.broadcast %get3A_1 : vector<10000x1xi32> to vector<10000x100xi32>
    %eq3A_2 = arith.cmpi eq, %eq3A, %iota3A : vector<10000x100xi32>
    %convert_element_type3A = arith.extui %eq3A_2 : vector<10000x100xi1> to vector<10000x100xi32>
    %convert_element_type3A_3 = arith.sitofp %convert_element_type3A : vector<10000x100xi32> to vector<10000x100xf32>
    %get3A_4 = arith.constant 0 : index
    %get3A_5 = arith.constant 0 : index
    %get3A_6 = vector.load %arg3[%get3A_4, %get3A_5] : memref<100x128xf32, #tpu.memory_space<vmem>>, vector<100x128xf32>
    %dot_general3A = arith.constant dense<0.000000e+00> : vector<10000x128xf32>
    %dot_general3A_7 = tpu.matmul %convert_element_type3A_3, %get3A_6, %dot_general3A {dimension_numbers = #tpu.dot_dimension_numbers<[1], [0], [0], [1], [0, 0, 1, 1], [], []>, transpose_lhs_hint = false} : vector<10000x100xf32>, vector<100x128xf32>, vector<10000x128xf32> -> vector<10000x128xf32>
    %get3A_8 = arith.constant 0 : index
    %get3A_9 = arith.constant 0 : index
    %get3A_10 = vector.load %arg2[%get3A_8, %get3A_9] : memref<10000x16xf32, #tpu.memory_space<vmem>>, vector<10000x16xf32>
    %get3A_11 = arith.constant 0 : index
    %get3A_12 = arith.constant 0 : index
    %get3A_13 = vector.load %arg4[%get3A_11, %get3A_12] : memref<16x128xf32, #tpu.memory_space<vmem>>, vector<16x128xf32>
    %dot_general3A_14 = arith.constant dense<0.000000e+00> : vector<10000x128xf32>
    %dot_general3A_15 = tpu.matmul %get3A_10, %get3A_13, %dot_general3A_14 {dimension_numbers = #tpu.dot_dimension_numbers<[1], [0], [0], [1], [0, 0, 1, 1], [], []>, transpose_lhs_hint = false} : vector<10000x16xf32>, vector<16x128xf32>, vector<10000x128xf32> -> vector<10000x128xf32>
    %add3A = arith.addf %dot_general3A_7, %dot_general3A_15 : vector<10000x128xf32>
    %get3A_16 = arith.constant 0 : index
    %get3A_17 = arith.constant 0 : index
    %get3A_18 = vector.load %arg5[%get3A_16, %get3A_17] : memref<1x128xf32, #tpu.memory_space<vmem>>, vector<1x128xf32>
    %add3A_19 = vector.broadcast %get3A_18 : vector<1x128xf32> to vector<10000x128xf32>
    %add3A_20 = arith.addf %add3A, %add3A_19 : vector<10000x128xf32>
    %swap3A = arith.constant 0 : index
    %swap3A_21 = arith.constant 0 : index
    %swap3A_22 = vector.load %arg6[%swap3A, %swap3A_21] : memref<10000x128xf32, #tpu.memory_space<vmem>>, vector<10000x128xf32>
    tpu.vector_store %arg6[%swap3A, %swap3A_21], %add3A_20 {strides = array<i32>} : memref<10000x128xf32, #tpu.memory_space<vmem>>, vector<10000x128xf32>,
    return
  }
  func.func @transform_0(%arg0: i32) -> (i32, i32) {
    %c0_i32 = arith.constant 0 : i32
    %c0_i32_0 = arith.constant 0 : i32
    return %arg0, %c0_i32 : i32, i32
  }
  func.func @transform_1(%arg0: i32) -> (i32, i32) {
    %c0_i32 = arith.constant 0 : i32
    %c0_i32_0 = arith.constant 0 : i32
    return %arg0, %c0_i32 : i32, i32
  }
  func.func @transform_2(%arg0: i32) -> (i32, i32) {
    %c0_i32 = arith.constant 0 : i32
    %c0_i32_0 = arith.constant 0 : i32
    %c0_i32_1 = arith.constant 0 : i32
    return %c0_i32, %c0_i32_0 : i32, i32
  }
  func.func @transform_3(%arg0: i32) -> (i32, i32) {
    %c0_i32 = arith.constant 0 : i32
    %c0_i32_0 = arith.constant 0 : i32
    %c0_i32_1 = arith.constant 0 : i32
    return %c0_i32, %c0_i32_0 : i32, i32
  }
  func.func @transform_4(%arg0: i32) -> (i32, i32) {
    %c0_i32 = arith.constant 0 : i32
    %c0_i32_0 = arith.constant 0 : i32
    %c0_i32_1 = arith.constant 0 : i32
    return %c0_i32, %c0_i32_0 : i32, i32
  }
  func.func @transform_5(%arg0: i32) -> (i32, i32) {
    %c0_i32 = arith.constant 0 : i32
    %c0_i32_0 = arith.constant 0 : i32
    return %arg0, %c0_i32 : i32, i32
  }
}

</mosaic_0001>

<sc_bundles>
// kernel: kernel.4.cloned.1.call-start
scs
__scs_entry_jumppad:
0x0: {  	(pc) =	sbr.rel $0x88, $3  }
0x1: {  	(tag) =	ssettag $0x0;
	lr =	simm.s32 $0x1  }
0x2: {  	[smem:$0x3F9A] =	sst lr;
	_ =	strace $0xD0000000  }
0x3: {  	_ = 	snop  }
0x4: {  	_ = 	snop  }
0x5: {  	_ = 	snop  }
0x6: {  	_ = 	snop  }
0x7: {  	_ = 	snop  }
__scs_overlays_trampoline_lowered:
0x8: {  	[smem:$0x3FA9] =	sst s0  }
0x9: {  	[smem:$0x3FAA] =	sst s1  }
0xa: {  	[smem:$0x3FAB] =	sst s2  }
0xb: {  	[smem:$0x3FAC] =	sst s3  }
0xc: {  	[smem:$0x3FAD] =	sst s4  }
0xd: {  	[smem:$0x3FAE] =	sst s5  }
0xe: {  	[smem:$0x3FAF] =	sst s6  }
0xf: {  	[smem:$0x3FB0] =	sst s7  }
0x10: {  	[smem:$0x3FB1] =	sst s8  }
0x11: {  	[smem:$0x3FB2] =	sst s9;
	s0 =	simm.s32 @!p0 $0x0  }
0x12: {  	s1 =	sld [smem:$0x3F98];
	s0 =	simm.s32 @p0 $0x1  }
0x13: {  	[smem:$0x3FB3] =	sst s0;
	s0 =	simm.s32 @!p1 $0x0  }
0x14: {  	s2 =	sld [smem:$0x3F97];
	s0 =	simm.s32 @p1 $0x1  }
0x15: {  	[smem:$0x3FB4] =	sst s0;
	s0 =	simm.s32 @!p2 $0x0  }
0x16: {  	s3 =	sld [smem:$0x3FDB];
	s0 =	simm.s32 @p2 $0x1  }
0x17: {  	s4 =	simm.s32 $0x1BF5;
	[smem:$0x3FB6] =	sst s0  }
0x18: {  	s0 =	sld [smem:$0x3F99];
	_ =	swait.ge [sflag:s4], $0x0  }
0x19: {  	s7 =	sld [smem:$0x3F9A]  }
0x1a: {  	s8 =	sadd.s32 $0xFFFFE003, lr  }
0x1b: {  	s9 =	sadd.s32 $0xFFFFFEF7, lr;
	s5 =	simm.s32 $0xFFFFFFFF;
	p2 =	slt.u32 s8, $0xFFFFF086  }
0x1c: {  	p1 =	slt.u32 s9, $0xF7A;
	s5 =	simm.s32 @!p2 $0x0  }
0x1d: {  	s5 =	simm.s32 @p1 $0x1;
	p0 =	seq.s32 s7, s2  }
0x1e: {  	s7 =	smul.u32 @!p0 $0xF7A, s2;
	p2 =	seq.s32 @!p0 s5, $0x0  }
0x1f: {  	s9 =	smul.u32 $0xF7A, s1;
	s8 =	simm.s32 @!p0 $0x1BF5;
	p2 =	por !p2, p0  }
0x20: {  	[sflag:s8] =	ssyncset.s32 @!p0 $0xFFFFF086;
	s6 =	sadd.s32 @!p0 s3, s7;
	s7 =	simm.s32 @!p0 $0x108  }
0x21: {  	s3 =	sadd.s32 s3, s9;
	s6 =	sadd.s32 @!p0 $0x88, s6;
	s7 =	simm.s32 @p2 $0x1082  }
0x22: {  	[simem:s7], [sflag:s8] =	dma.local @!p0 [hbm:s6], $0xF7A  }
0x23: {  	s9 =	sor.u32 $0xD0000000, s2;
	s6 =	simm.s32 $0x108;
	_ =	swait.ge @!p0 [sflag:s8], $0x0  }
0x24: {  	s3 =	sadd.s32 $0x88, s3;
	s6 =	simm.s32 @!p1 $0x1082;
	[sflag:s4] =	ssyncset.s32 $0xFFFFF086  }
0x25: {  	[simem:s6], [sflag:s4] =	dma.local [hbm:s3], $0xF7A  }
0x26: {  	[smem:$0x3F9A] =	sst s1;
	(tag) =	ssettag s2;
	_ =	strace s9  }
0x27: {  	s1 =	sld [smem:$0x3FAA]  }
0x28: {  	s2 =	sld [smem:$0x3FAB]  }
0x29: {  	s4 =	sld [smem:$0x3FAD]  }
0x2a: {  	p0 =	seq.s32 s5, $0x0;
	s5 =	sld [smem:$0x3FAE]  }
0x2b: {  	s6 =	sld [smem:$0x3FAF]  }
0x2c: {  	s7 =	sld [smem:$0x3FB0]  }
0x2d: {  	s3 =	simm.s32 $0x108;
	s8 =	sld [smem:$0x3FB1]  }
0x2e: {  	s3 =	simm.s32 @!p0 $0x1082;
	s9 =	sld [smem:$0x3FB2]  }
0x2f: {  	lr =	sadd.s32 s0, s3;
	s0 =	sld [smem:$0x3FA9]  }
0x30: {  	s3 =	sld [smem:$0x3FAC]  }
0x31: {  	[smem:$0x3FB5] =	sst s10  }
0x32: {  	s10 =	sld [smem:$0x3FB3];
	_ =	sdelay $0x3  }
0x33: {  	p0 =	seq.s32 s10, $0x1;
	s10 =	sld [smem:$0x3FB5];
	_ =	sdelay $0x3  }
0x34: {  	[smem:$0x3FB5] =	sst s10  }
0x35: {  	s10 =	sld [smem:$0x3FB4];
	_ =	sdelay $0x3  }
0x36: {  	p1 =	seq.s32 s10, $0x1;
	s10 =	sld [smem:$0x3FB5];
	_ =	sdelay $0x3  }
0x37: {  	[smem:$0x3FB5] =	sst s10  }
0x38: {  	s10 =	sld [smem:$0x3FB6]  }
0x39: {  	_ = 	snop;
	(pc) =	sbr.ind lr, $3  }
0x3a: {  	_ = 	snop  }
0x3b: {  	_ = 	snop  }
0x3c: {  	p2 =	seq.s32 s10, $0x1;
	s10 =	sld [smem:$0x3FB5]  }
0x3d: {  	_ =	shalt  }
0x3e: {  	_ =	shalt  }
0x3f: {  	_ =	shalt  }
0x40: {  	_ =	shalt  }
0x41: {  	_ =	shalt  }
0x42: {  	_ =	shalt  }
0x43: {  	_ =	shalt  }
0x44: {  	_ =	shalt  }
0x45: {  	_ =	shalt  }
0x46: {  	_ =	shalt  }
0x47: {  	_ =	shalt  }
0x48: {  	_ =	shalt  }
0x49: {  	_ =	shalt  }
0x4a: {  	_ =	shalt  }
0x4b: {  	_ =	shalt  }
0x4c: {  	_ =	shalt  }
0x4d: {  	_ =	shalt  }
0x4e: {  	_ =	shalt  }
0x4f: {  	_ =	shalt  }
0x50: {  	_ =	shalt  }
0x51: {  	_ =	shalt  }
0x52: {  	_ =	shalt  }
0x53: {  	_ =	shalt  }
0x54: {  	_ =	shalt  }
0x55: {  	_ =	shalt  }
0x56: {  	_ =	shalt  }
0x57: {  	_ =	shalt  }
0x58: {  	_ =	shalt  }
0x59: {  	_ =	shalt  }
0x5a: {  	_ =	shalt  }
0x5b: {  	_ =	shalt  }
0x5c: {  	_ =	shalt  }
0x5d: {  	_ =	shalt  }
0x5e: {  	_ =	shalt  }
0x5f: {  	_ =	shalt  }
0x60: {  	_ =	shalt  }
0x61: {  	_ =	shalt  }
0x62: {  	_ =	shalt  }
0x63: {  	_ =	shalt  }
0x64: {  	_ =	shalt  }
0x65: {  	_ =	shalt  }
0x66: {  	_ =	shalt  }
0x67: {  	_ =	shalt  }
0x68: {  	_ =	shalt  }
0x69: {  	_ =	shalt  }
0x6a: {  	_ =	shalt  }
0x6b: {  	_ =	shalt  }
0x6c: {  	_ =	shalt  }
0x6d: {  	_ =	shalt  }
0x6e: {  	_ =	shalt  }
0x6f: {  	_ =	shalt  }
0x70: {  	_ =	shalt  }
0x71: {  	_ =	shalt  }
0x72: {  	_ =	shalt  }
0x73: {  	_ =	shalt  }
0x74: {  	_ =	shalt  }
0x75: {  	_ =	shalt  }
0x76: {  	_ =	shalt  }
0x77: {  	_ =	shalt  }
0x78: {  	_ =	shalt  }
0x79: {  	_ =	shalt  }
0x7a: {  	_ =	shalt  }
0x7b: {  	_ =	shalt  }
0x7c: {  	_ =	shalt  }
0x7d: {  	_ =	shalt  }
0x7e: {  	_ =	shalt  }
0x7f: {  	_ =	shalt  }
0x80: {  	_ =	shalt  }
0x81: {  	_ =	shalt  }
0x82: {  	_ =	shalt  }
0x83: {  	_ =	shalt  }
0x84: {  	_ =	shalt  }
0x85: {  	_ =	shalt  }
0x86: {  	_ =	shalt  }
0x87: {  	_ =	shalt  }
.Lfunc_end0:
.L_simem_size_0:
called_computation_lowered:
.L_overlay_start_0:
0x88: {  	s2 =	sld [smem:$0x3FD9]  }
0x89: {  	s3 =	sld [smem:$0x3FFE];
	_ =	sdelay $0x1  }
0x8a: {  	s1 =	srdreg.scid  }
0x8b: {  	s0 =	sand.u32 $0x1, s1  }
0x8c: {  	s15 =	sshll.u32 s0, $0xA;
	s2 =	sadd.s32 s3, s2  }
0x8d: {  	s2 =	sadd.s32 s2, s15  }
0x8e: {  	[smem:$0x3FC1] =	sst s2  }
0x8f: {  	_ = 	snop  }
0x90: {  	s2 =	sld [smem:$0x3FD0];
	_ =	sdelay $0x1  }
0x91: {  	s16 =	sld [smem:$0x3FC8]  }
0x92: {  	s5 =	simm.s32 $0xA;
	s6 =	simm.s32 $0x10;
	s4 =	sld [smem:$0x3FC5]  }
0x93: {  	[smem:s6], [sflag:s5] =	dma.local [hbm:s2], $0x1  }
0x94: {  	_ =	swait.eq [sflag:s5], $0x1  }
0x95: {  	[sflag:s5] =	ssyncset.done $0x0  }
0x96: {  	[sflag:s5] =	ssyncadd.s32 $0xFFFFFFFF  }
0x97: {  	s17 =	sld [smem:$0x11];
	(tm) =	ssettm $0x1  }
0x98: {  	s18 =	sld [smem:$0x3FFB];
	_ =	sdelay $0x3  }
0x99: {  	_ =	strace s18  }
0x9a: {  	s5 =	sld [smem:$0x3FFC];
	_ =	sdelay $0x3  }
0x9b: {  	_ =	strace s5  }
0x9c: {  	s5 =	sld [smem:$0x3FFD];
	_ =	sdelay $0x3  }
0x9d: {  	_ =	strace s5  }
0x9e: {  	_ =	strace $0x8FFFFFFF  }
0x9f: {  	s19 =	sld [smem:$0x3FDB];
	_ =	sdelay $0x1  }
0xa0: {  	s20 =	simm.s32 $_scs_section_size  }
0xa1: {  	s7 =	simm.s32 $_size__tile_overlayer_lowered;
	s8 =	simm.s32 $_tile_overlayer_lowered  }
0xa2: {  	s23 =	simm.s32 $0x1BFF;
	s22 =	sshll.u32 s8, $0x1;
	s5 =	sadd.s32 s20, s19  }
0xa3: {  	s9 =	simm.s32 $0x0;
	s21 =	sshll.u32 s7, $0x1;
	s7 =	sadd.s32 s22, s5  }
0xa4: {  	[timem:s9], [sflag:s23] =	dma.local [hbm:s7], s21  }
0xa5: {  	_ =	swait.ge [sflag:s23], s21  }
0xa6: {  	s6 =	ssub.s32 $0x0, s21;
	[sflag:s23] =	ssyncset.done $0x0  }
0xa7: {  	[sflag:s23] =	ssyncadd.s32 s6;
	_ =	sdelay $0x1  }
0xa8: {  	s24 =	simm.s32 $0x1B8B  }
0xa9: {  	_ =	swait.ge [sflag:s24], $0x1  }
0xaa: {  	[sflag:s24] =	ssyncset.done $0x0  }
0xab: {  	s25 =	simm.s32 $0x1B8E;
	[sflag:s24] =	ssyncadd.s32 $0xFFFFFFFF  }
0xac: {  	s26 =	simm.s32 $execute0_lowered;
	[smem:$0x3FD2] =	sst s25  }
0xad: {  	s6 =	sshll.u32 s26, $0x1;
	_ =	strace $0x80000046;
	[dreg:$0x1] =	wrdreg $0xFFFFFFFF  }
0xae: {  	s28 =	simm.s32 $_size_execute0_lowered;
	s5 =	sadd.s32 s5, s6;
	[dreg:$0x0] =	wrdreg $0x0  }
0xaf: {  	s6 =	sshll.u32 s28, $0x1;
	[dreg:$0x2] =	wrdreg s5  }
0xb0: {  	[dreg:$0x3] =	wrdreg s6  }
0xb1: {  	[dreg:$0x4] =	wrdreg $0xC0  }
0xb2: {  	_ =	task [dreg:s9], $0x5FFFF  }
0xb3: {  	[dreg:$0x1] =	wrdreg $0xFFFFFFFF  }
0xb4: {  	[dreg:$0x0] =	wrdreg $0x60  }
0xb5: {  	[dreg:$0x2] =	wrdreg s4  }
0xb6: {  	[dreg:$0x3] =	wrdreg s16  }
0xb7: {  	[dreg:$0x4] =	wrdreg s17  }
0xb8: {  	[dreg:$0x5] =	wrdreg $0x1DF800  }
0xb9: {  	[dreg:$0x6] =	wrdreg $0x9  }
0xba: {  	_ =	task.clear_ibuf [dreg:s9], $0x7FFFF;
	_ =	strace $0x90000046  }
0xbb: {  	s29 =	simm.s32 $0x9;
	_ =	strace $0x80000048  }
0xbc: {  	_ =	swait.ge [sflag:s29], $0x1  }
0xbd: {  	[sflag:s29] =	ssyncadd.s32 $0xFFFFFFFF  }
0xbe: {  	_ =	strace $0x90000048  }
0xbf: {  	_ =	sfence  }
0xc0: {  	s30 =	sld [smem:$0x0];
	_ =	sdelay $0x2  }
0xc1: {  	s31 =	sshll.u32 s1, $0xD;
	s1 =	sshrl.u32 s1, $0x2  }
0xc2: {  	s3 =	sand.u32 $0x4000, s31;
	s1 =	sadd.s32 s1, s30  }
0xc3: {  	s0 =	sor.u32 s3, s0;
	s1 =	sshll.u32 s1, $0x11  }
0xc4: {  	s0 =	sor.u32 s1, s0  }
0xc5: {  	s0 =	sadd.s32 $0x8F2B, s0  }
0xc6: {  	[sflag:s0] =	ssyncadd.remote.s32 $0x1  }
0xc7: {  	_ =	sfence.sel $0xFFFF  }
0xc8: {  	[dreg:$0x0] =	wrdreg $0xFFFFFFFF;
	(pc) =	sbr.abs _section_cstart, $3  }
0xc9: {  	[dreg:$0x1] =	wrdreg $0xFFFFFFFF  }
0xca: {  	_ =	task.clear_ibuf [dreg:s9], $0x2FFFF;
	_ =	strace $0x9FFFFFFF  }
0xcb: {  	(tm) =	ssettm $0x7FFFFFFF  }
tec
execute0_lowered:
.L_overlay_start_1:
0x0: {  	(tag) =	ssettag $0x1  }
0x1: {  	s0 =	rddreg [dreg:$0x1]  }
0x2: {  	s1 =	srdreg.scid;
	s5 =	rddreg [dreg:$0x2]  }
0x3: {  	s4 =	stileid.u32;
	s2 =	rddreg [dreg:$0x3]  }
0x4: {  	s12 =	simm.s32 $0xC;
	s13 =	simm.s32 $0x50;
	s14 =	simm.s32 $0x2780  }
0x5: {  	s15 =	simm.s32 $0x4F80;
	s17 =	simm.s32 $0x7780;
	s19 =	simm.s32 $0x9F80  }
0x6: {  	s28 =	simm.s32 $0x13F80;
	s30 =	simm.s32 $0x16780;
	s16 =	simm.s32 $0x1B780  }
0x7: {  	s18 =	simm.s32 $0x1;
	s29 =	simm.s32 $0x6;
	s31 =	simm.s32 $0x7  }
0x8: {  	s1 =	sand.u32 $0x1, s1;
	s3 =	sshll.u32 s4, $0x1;
	s22 =	smul.u32 $0x4E200, s4  }
0x9: {  	p0 =	sne.s32 s4, $0x0;
	s4 =	simm.s32 $0x9;
	s6 =	sor.u32 s1, s3  }
0xa: {  	s3 =	simm.s32 $0x0;
	s8 =	ssub.s32 $0x2, s1;
	s24 =	smul.u32 $0x27100, s1  }
0xb: {  	s1 =	simm.s32 $0x18F80;
	s7 =	smul.u32 $0x2710, s6;
	[smem:$0x7FF] =	sst s3  }
0xc: {  	s6 =	smul.u32 $0x138800, s6;
	s9 =	sshrl.u32 s8, $0x1;
	s26 =	sadd.s32 s22, s5  }
0xd: {  	s22 =	simm.s32 $0x3;
	_ =	strace $0x80000047;
	s8 =	ssub.s32 s8, s9  }
0xe: {  	s10 =	sadd.s32 s24, s26;
	s24 =	simm.s32 $0x4;
	s26 =	simm.s32 $0x5  }
0xf: {  	s7 =	sshrl.u32 s7, $0x3;
	s6 =	sshrl.u32 s6, $0x3;
	s25 =	smax.u32 s8, $0x1  }
0x10: {  	s0 =	sadd.s32 s0, s7;
	s20 =	sadd.s32 s5, s6;
	[dreg:$0xa] =	wrdreg s25  }
0x11: {  	s8 =	simm.s32 $0x0;
	[dreg:$0x5] =	wrdreg s0;
	s6 =	sadd.s32 $0x25D00, s20  }
.Ltmp0:
0x12: {  	s21 =	sadd.s32 $0x26200, s20;
	[dreg:$0x6] =	wrdreg s6;
	(pc) =	sbr.rel .LBB2_1-.Ltmp0, $4  }
0x13: {  	s25 =	simm.s32 $0x11780;
	s23 =	sadd.s32 $0x26700, s20;
	[dreg:$0x7] =	wrdreg s21  }
0x14: {  	s5 =	simm.s32 $0xA;
	s0 =	sadd.s32 $0x26C00, s20;
	[dreg:$0x8] =	wrdreg s23  }
0x15: {  	s20 =	simm.s32 $0x2;
	[dreg:$0x9] =	wrdreg s0;
	s0 =	sshrl.u32 @!p0 s2, $0x3  }
0x16: {  	s6 =	simm.s32 $0xB;
	[dreg:$0xb] =	wrdreg s0;
	s0 =	simm.s32 $0x8  }
.LBB2_4:
0x17: {  	_ =	swait.ge [sflag:s18], $0x2800  }
0x18: {  	[sflag:s18] =	ssyncset.done $0x0  }
0x19: {  	s7 =	rddreg [dreg:$0x6];
	[sflag:s18] =	ssyncadd.s32 $0xFFFFD800  }
0x1a: {  	[hbm4b:s7+s3] =	stream.linear.scatter [tilespmem:s14], [sflag:$0xC], $0x2800, $0x38;
	[tilespmem:$0x1DFD0] =	vst v63  }
0x1b: {  	_ =	swait.ge [sflag:s12], $0x2800  }
0x1c: {  	[sflag:s12] =	ssyncset.done $0x0  }
0x1d: {  	[sflag:s12] =	ssyncadd.s32 $0xFFFFD800  }
0x1e: {  	_ =	swait.ge [sflag:s20], $0x2800  }
0x1f: {  	[sflag:s20] =	ssyncset.done $0x0  }
0x20: {  	s9 =	rddreg [dreg:$0x7];
	[sflag:s20] =	ssyncadd.s32 $0xFFFFD800  }
0x21: {  	[hbm4b:s9+s3] =	stream.linear.scatter [tilespmem:s15], [sflag:$0xC], $0x2800, $0x38;
	[tilespmem:$0x1DFD0] =	vst v63  }
0x22: {  	_ =	swait.ge [sflag:s12], $0x2800  }
0x23: {  	[sflag:s12] =	ssyncset.done $0x0  }
0x24: {  	[sflag:s12] =	ssyncadd.s32 $0xFFFFD800  }
0x25: {  	_ =	swait.ge [sflag:s22], $0x2800  }
0x26: {  	[sflag:s22] =	ssyncset.done $0x0  }
0x27: {  	s11 =	rddreg [dreg:$0x8];
	[sflag:s22] =	ssyncadd.s32 $0xFFFFD800  }
0x28: {  	[hbm4b:s11+s3] =	stream.linear.scatter [tilespmem:s17], [sflag:$0xC], $0x2800, $0x38;
	[tilespmem:$0x1DFD0] =	vst v63  }
0x29: {  	_ =	swait.ge [sflag:s12], $0x2800  }
0x2a: {  	[sflag:s12] =	ssyncset.done $0x0  }
0x2b: {  	[sflag:s12] =	ssyncadd.s32 $0xFFFFD800  }
0x2c: {  	_ =	swait.ge [sflag:s24], $0x2800  }
0x2d: {  	[sflag:s24] =	ssyncset.done $0x0  }
0x2e: {  	s21 =	rddreg [dreg:$0x9];
	[sflag:s24] =	ssyncadd.s32 $0xFFFFD800  }
0x2f: {  	[hbm4b:s21+s3] =	stream.linear.scatter [tilespmem:s19], [sflag:$0xC], $0x2800, $0x38;
	[tilespmem:$0x1DFD0] =	vst v63  }
0x30: {  	_ =	swait.ge [sflag:s12], $0x2800  }
0x31: {  	s8 =	rddreg [dreg:$0xc]  }
0x32: {  	s23 =	rddreg [dreg:$0xa];
	s8 =	sadd.s32 $0x1, s8  }
0x33: {  	p1 =	sne.s32 s8, s23  }
.Ltmp1:
0x34: {  	_ = 	snop;
	(pc) =	sbr.rel @!p1 .LBB2_5-.Ltmp1, $3  }
0x35: {  	_ =	sdelay $0x1  }
0x36: {  	[sflag:s12] =	ssyncset.done $0x0  }
0x37: {  	[sflag:s12] =	ssyncadd.s32 $0xFFFFD800  }
.LBB2_1:
0x38: {  	[dreg:$0xc] =	wrdreg s8  }
0x39: {  	s7 =	rddreg [dreg:$0x0]  }
0x3a: {  	s8 =	simm.s32 @!p0 $0x1C0C;
	s9 =	rddreg [dreg:$0xb]  }
0x3b: {  	[spmem:s9], [sflag:s8] =	dma.local @!p0 [hbm:s7], $0xA0  }
0x3c: {  	s8 =	simm.s32 @!p0 $0xC  }
0x3d: {  	_ =	swait.ge @!p0 [sflag:s8], $0xA0  }
0x3e: {  	[sflag:s8] =	ssyncset.done @!p0 $0x0  }
0x3f: {  	s21 =	rddreg [dreg:$0x5];
	[sflag:s8] =	ssyncadd.s32 @!p0 $0xFFFFFF60  }
0x40: {  	[tilespmem:s3], [sflag:$0xC] =	stream.linear.gather [hbm4b:s21+s3], $0x2710, $0x38;
	[tilespmem:$0x1DFD0] =	vst v63  }
0x41: {  	_ =	swait.ge [sflag:s12], $0x2710  }
0x42: {  	[sflag:s12] =	ssyncset.done $0x0  }
0x43: {  	[sflag:s12] =	ssyncadd.s32 $0xFFFFD8F0  }
0x44: {  	[bflag:$0x0] =	sbarrier.arrive $0xFFFF  }
0x45: {  	[tilespmem:s14], [sflag:$0x1] =	stream.indirect.gather [spmem:s2], $0x80, s3, s13, $0xb8;
	[tilespmem:$0x1DFD0] =	vst v63  }
0x46: {  	_ = 	snop  }
0x47: {  	[tilespmem:s15], [sflag:$0x2] =	stream.indirect.gather [spmem:s2], $0x80, s13, s13, $0xb8;
	[tilespmem:$0x1DFD0] =	vst v63  }
0x48: {  	s23 =	simm.s32 $0xA0  }
0x49: {  	[tilespmem:s17], [sflag:$0x3] =	stream.indirect.gather [spmem:s2], $0x80, s23, s13, $0xb8;
	[tilespmem:$0x1DFD0] =	vst v63  }
0x4a: {  	s8 =	simm.s32 $0xF0  }
0x4b: {  	[tilespmem:s19], [sflag:$0x4] =	stream.indirect.gather [spmem:s2], $0x80, s8, s13, $0xb8;
	[tilespmem:$0x1DFD0] =	vst v63  }
0x4c: {  	s11 =	simm.s32 $0xC780;
	s9 =	simm.s32 $0x140  }
0x4d: {  	[tilespmem:s11], [sflag:$0x5] =	stream.indirect.gather [spmem:s2], $0x80, s9, s13, $0xb8;
	[tilespmem:$0x1DFD0] =	vst v63  }
0x4e: {  	s21 =	simm.s32 $0x190;
	s23 =	simm.s32 $0xEF80  }
0x4f: {  	[tilespmem:s23], [sflag:$0x6] =	stream.indirect.gather [spmem:s2], $0x80, s21, s13, $0xb8;
	[tilespmem:$0x1DFD0] =	vst v63  }
0x50: {  	s8 =	simm.s32 $0x1E0  }
0x51: {  	[tilespmem:s25], [sflag:$0x7] =	stream.indirect.gather [spmem:s2], $0x80, s8, s13, $0xb8;
	[tilespmem:$0x1DFD0] =	vst v63  }
0x52: {  	s9 =	simm.s32 $0x230  }
0x53: {  	[tilespmem:s28], [sflag:$0x8] =	stream.indirect.gather [spmem:s2], $0x80, s9, s13, $0xb8;
	[tilespmem:$0x1DFD0] =	vst v63  }
0x54: {  	s11 =	simm.s32 $0x280  }
0x55: {  	[tilespmem:s30], [sflag:$0x9] =	stream.indirect.gather [spmem:s2], $0x80, s11, s13, $0xb8;
	[tilespmem:$0x1DFD0] =	vst v63  }
0x56: {  	s21 =	simm.s32 $0x2D0  }
0x57: {  	[tilespmem:s1], [sflag:$0xA] =	stream.indirect.gather [spmem:s2], $0x80, s21, s13, $0xb8;
	[tilespmem:$0x1DFD0] =	vst v63  }
0x58: {  	s23 =	simm.s32 $0x320;
	s8 =	simm.s32 $0x690;
	s9 =	simm.s32 $0x0  }
0x59: {  	[tilespmem:s16], [sflag:$0xB] =	stream.indirect.gather [spmem:s2], $0x80, s23, s13, $0xb8;
	[tilespmem:$0x1DFD0] =	vst v63  }
.LBB2_2:
0x5a: {  	_ =	swait.ge [sflag:s18], $0x2800  }
0x5b: {  	[sflag:s18] =	ssyncset.done $0x0  }
0x5c: {  	s11 =	sadd.s32 s9, s10;
	[sflag:s18] =	ssyncadd.s32 $0xFFFFD800  }
0x5d: {  	[hbm4b:s11+s3] =	stream.linear.scatter [tilespmem:s14], [sflag:$0xC], $0x2800, $0x38;
	[tilespmem:$0x1DFD0] =	vst v63  }
0x5e: {  	_ =	swait.ge [sflag:s12], $0x2800  }
0x5f: {  	[sflag:s12] =	ssyncset.done $0x0  }
0x60: {  	s7 =	sadd.s32 $0xFFFFFCE0, s8;
	[sflag:s12] =	ssyncadd.s32 $0xFFFFD800  }
0x61: {  	[tilespmem:s14], [sflag:$0x1] =	stream.indirect.gather [spmem:s2], $0x80, s7, s13, $0xb8;
	[tilespmem:$0x1DFD0] =	vst v63  }
0x62: {  	_ =	swait.ge [sflag:s20], $0x2800  }
0x63: {  	[sflag:s20] =	ssyncset.done $0x0  }
0x64: {  	s23 =	sadd.s32 $0x500, s11;
	[sflag:s20] =	ssyncadd.s32 $0xFFFFD800  }
0x65: {  	[hbm4b:s23+s3] =	stream.linear.scatter [tilespmem:s15], [sflag:$0xC], $0x2800, $0x38;
	[tilespmem:$0x1DFD0] =	vst v63  }
0x66: {  	_ =	swait.ge [sflag:s12], $0x2800  }
0x67: {  	[sflag:s12] =	ssyncset.done $0x0  }
0x68: {  	s21 =	sadd.s32 $0xFFFFFD30, s8;
	[sflag:s12] =	ssyncadd.s32 $0xFFFFD800  }
0x69: {  	[tilespmem:s15], [sflag:$0x2] =	stream.indirect.gather [spmem:s2], $0x80, s21, s13, $0xb8;
	[tilespmem:$0x1DFD0] =	vst v63  }
0x6a: {  	_ =	swait.ge [sflag:s22], $0x2800  }
0x6b: {  	[sflag:s22] =	ssyncset.done $0x0  }
0x6c: {  	s23 =	sadd.s32 $0xA00, s11;
	[sflag:s22] =	ssyncadd.s32 $0xFFFFD800  }
0x6d: {  	[hbm4b:s23+s3] =	stream.linear.scatter [tilespmem:s17], [sflag:$0xC], $0x2800, $0x38;
	[tilespmem:$0x1DFD0] =	vst v63  }
0x6e: {  	_ =	swait.ge [sflag:s12], $0x2800  }
0x6f: {  	[sflag:s12] =	ssyncset.done $0x0  }
0x70: {  	s21 =	sadd.s32 $0xFFFFFD80, s8;
	[sflag:s12] =	ssyncadd.s32 $0xFFFFD800  }
0x71: {  	[tilespmem:s17], [sflag:$0x3] =	stream.indirect.gather [spmem:s2], $0x80, s21, s13, $0xb8;
	[tilespmem:$0x1DFD0] =	vst v63  }
0x72: {  	_ =	swait.ge [sflag:s24], $0x2800  }
0x73: {  	[sflag:s24] =	ssyncset.done $0x0  }
0x74: {  	s23 =	sadd.s32 $0xF00, s11;
	[sflag:s24] =	ssyncadd.s32 $0xFFFFD800  }
0x75: {  	[hbm4b:s23+s3] =	stream.linear.scatter [tilespmem:s19], [sflag:$0xC], $0x2800, $0x38;
	[tilespmem:$0x1DFD0] =	vst v63  }
0x76: {  	_ =	swait.ge [sflag:s12], $0x2800  }
0x77: {  	[sflag:s12] =	ssyncset.done $0x0  }
0x78: {  	s21 =	sadd.s32 $0xFFFFFDD0, s8;
	[sflag:s12] =	ssyncadd.s32 $0xFFFFD800  }
0x79: {  	[tilespmem:s19], [sflag:$0x4] =	stream.indirect.gather [spmem:s2], $0x80, s21, s13, $0xb8;
	[tilespmem:$0x1DFD0] =	vst v63  }
0x7a: {  	_ =	swait.ge [sflag:s26], $0x2800  }
0x7b: {  	[sflag:s26] =	ssyncset.done $0x0  }
0x7c: {  	s23 =	sadd.s32 $0x1400, s11;
	s21 =	simm.s32 $0xC780;
	[sflag:s26] =	ssyncadd.s32 $0xFFFFD800  }
0x7d: {  	[hbm4b:s23+s3] =	stream.linear.scatter [tilespmem:s21], [sflag:$0xC], $0x2800, $0x38;
	[tilespmem:$0x1DFD0] =	vst v63  }
0x7e: {  	p1 =	seq.s32 s9, $0x22600;
	_ =	swait.ge [sflag:s12], $0x2800  }
0x7f: {  	s7 =	sadd.s32 @!p1 $0xFFFFFE20, s8;
	[sflag:s12] =	ssyncset.done $0x0  }
0x80: {  	s21 =	simm.s32 @!p1 $0x50;
	s23 =	simm.s32 @!p1 $0xC780;
	[sflag:s12] =	ssyncadd.s32 $0xFFFFD800  }
0x81: {  	[tilespmem:s23], [sflag:$0x5] =	stream.indirect.gather @!p1 [spmem:s2], $0x80, s7, s21, $0xb8;
	[tilespmem:$0x1DFD0] =	vst v63  }
0x82: {  	_ =	swait.ge [sflag:s29], $0x2800  }
0x83: {  	[sflag:s29] =	ssyncset.done $0x0  }
0x84: {  	s7 =	sadd.s32 $0x1900, s11;
	s23 =	simm.s32 $0xEF80;
	[sflag:s29] =	ssyncadd.s32 $0xFFFFD800  }
0x85: {  	[hbm4b:s7+s3] =	stream.linear.scatter [tilespmem:s23], [sflag:$0xC], $0x2800, $0x38;
	[tilespmem:$0x1DFD0] =	vst v63  }
0x86: {  	_ =	swait.ge [sflag:s12], $0x2800  }
0x87: {  	[sflag:s12] =	ssyncset.done $0x0  }
0x88: {  	s7 =	sadd.s32 @!p1 $0xFFFFFE70, s8;
	s23 =	simm.s32 @!p1 $0xEF80;
	[sflag:s12] =	ssyncadd.s32 $0xFFFFD800  }
0x89: {  	[tilespmem:s23], [sflag:$0x6] =	stream.indirect.gather @!p1 [spmem:s2], $0x80, s7, s21, $0xb8;
	[tilespmem:$0x1DFD0] =	vst v63  }
0x8a: {  	_ =	swait.ge [sflag:s31], $0x2800  }
0x8b: {  	[sflag:s31] =	ssyncset.done $0x0  }
0x8c: {  	s23 =	sadd.s32 $0x1E00, s11;
	[sflag:s31] =	ssyncadd.s32 $0xFFFFD800  }
0x8d: {  	[hbm4b:s23+s3] =	stream.linear.scatter [tilespmem:s25], [sflag:$0xC], $0x2800, $0x38;
	[tilespmem:$0x1DFD0] =	vst v63  }
0x8e: {  	_ =	swait.ge [sflag:s12], $0x2800  }
0x8f: {  	[sflag:s12] =	ssyncset.done $0x0  }
0x90: {  	s7 =	sadd.s32 @!p1 $0xFFFFFEC0, s8;
	s23 =	simm.s32 @!p1 $0x11780;
	[sflag:s12] =	ssyncadd.s32 $0xFFFFD800  }
0x91: {  	[tilespmem:s23], [sflag:$0x7] =	stream.indirect.gather @!p1 [spmem:s2], $0x80, s7, s21, $0xb8;
	[tilespmem:$0x1DFD0] =	vst v63  }
0x92: {  	_ =	swait.ge [sflag:s0], $0x2800  }
0x93: {  	[sflag:s0] =	ssyncset.done $0x0  }
0x94: {  	s23 =	sadd.s32 $0x2300, s11;
	[sflag:s0] =	ssyncadd.s32 $0xFFFFD800  }
0x95: {  	[hbm4b:s23+s3] =	stream.linear.scatter [tilespmem:s28], [sflag:$0xC], $0x2800, $0x38;
	[tilespmem:$0x1DFD0] =	vst v63  }
0x96: {  	_ =	swait.ge [sflag:s12], $0x2800  }
0x97: {  	[sflag:s12] =	ssyncset.done $0x0  }
0x98: {  	s7 =	sadd.s32 @!p1 $0xFFFFFF10, s8;
	s23 =	simm.s32 @!p1 $0x13F80;
	[sflag:s12] =	ssyncadd.s32 $0xFFFFD800  }
0x99: {  	[tilespmem:s23], [sflag:$0x8] =	stream.indirect.gather @!p1 [spmem:s2], $0x80, s7, s21, $0xb8;
	[tilespmem:$0x1DFD0] =	vst v63  }
0x9a: {  	_ =	swait.ge [sflag:s4], $0x2800  }
0x9b: {  	[sflag:s4] =	ssyncset.done $0x0  }
0x9c: {  	s23 =	sadd.s32 $0x2800, s11;
	[sflag:s4] =	ssyncadd.s32 $0xFFFFD800  }
0x9d: {  	[hbm4b:s23+s3] =	stream.linear.scatter [tilespmem:s30], [sflag:$0xC], $0x2800, $0x38;
	[tilespmem:$0x1DFD0] =	vst v63  }
0x9e: {  	_ =	swait.ge [sflag:s12], $0x2800  }
0x9f: {  	[sflag:s12] =	ssyncset.done $0x0  }
0xa0: {  	s7 =	sadd.s32 @!p1 $0xFFFFFF60, s8;
	s23 =	simm.s32 @!p1 $0x16780;
	[sflag:s12] =	ssyncadd.s32 $0xFFFFD800  }
0xa1: {  	[tilespmem:s23], [sflag:$0x9] =	stream.indirect.gather @!p1 [spmem:s2], $0x80, s7, s21, $0xb8;
	[tilespmem:$0x1DFD0] =	vst v63  }
0xa2: {  	_ =	swait.ge [sflag:s5], $0x2800  }
0xa3: {  	[sflag:s5] =	ssyncset.done $0x0  }
0xa4: {  	s23 =	sadd.s32 $0x2D00, s11;
	[sflag:s5] =	ssyncadd.s32 $0xFFFFD800  }
0xa5: {  	[hbm4b:s23+s3] =	stream.linear.scatter [tilespmem:s1], [sflag:$0xC], $0x2800, $0x38;
	[tilespmem:$0x1DFD0] =	vst v63  }
0xa6: {  	_ =	swait.ge [sflag:s12], $0x2800  }
0xa7: {  	[sflag:s12] =	ssyncset.done $0x0  }
0xa8: {  	s7 =	sadd.s32 @!p1 $0xFFFFFFB0, s8;
	s23 =	simm.s32 @!p1 $0x18F80;
	[sflag:s12] =	ssyncadd.s32 $0xFFFFD800  }
0xa9: {  	[tilespmem:s23], [sflag:$0xA] =	stream.indirect.gather @!p1 [spmem:s2], $0x80, s7, s21, $0xb8;
	[tilespmem:$0x1DFD0] =	vst v63  }
0xaa: {  	_ =	swait.ge [sflag:s6], $0x2800  }
0xab: {  	[sflag:s6] =	ssyncset.done $0x0  }
.Ltmp2:
0xac: {  	s23 =	sadd.s32 $0x3200, s11;
	[sflag:s6] =	ssyncadd.s32 $0xFFFFD800;
	(pc) =	sbr.rel @p1 .LBB2_4-.Ltmp2, $4  }
0xad: {  	[hbm4b:s23+s3] =	stream.linear.scatter [tilespmem:s16], [sflag:$0xC], $0x2800, $0x38;
	[tilespmem:$0x1DFD0] =	vst v63  }
0xae: {  	_ =	swait.ge [sflag:s12], $0x2800  }
0xaf: {  	[sflag:s12] =	ssyncset.done $0x0  }
0xb0: {  	[sflag:s12] =	ssyncadd.s32 $0xFFFFD800  }
.Ltmp3:
0xb1: {  	(pc) =	sbr.rel .LBB2_2-.Ltmp3, $3  }
0xb2: {  	_ =	sdelay $0x1  }
0xb3: {  	[tilespmem:s16], [sflag:$0xB] =	stream.indirect.gather [spmem:s2], $0x80, s8, s13, $0xb8;
	[tilespmem:$0x1DFD0] =	vst v63  }
0xb4: {  	s9 =	sadd.s32 $0x3700, s9;
	s8 =	sadd.s32 $0x370, s8  }
.LBB2_5:
0xb5: {  	_ =	sfence.sel $0x180000  }
0xb6: {  	[bflag:$0x0] =	sbarrier.arrive $0xFFFF  }
0xb7: {  	_ =	strace $0x90000047  }
0xb8: {  	[bflag:$0x2] =	sbarrier.arrive $0xFFFF  }
0xb9: {  	s0 =	rddreg [dreg:$0x4]  }
0xba: {  	s0 =	sadd.s32 @!p0 $0x100000, s0  }
0xbb: {  	[sflag:s0] =	ssyncadd.tile.s32 @!p0 $0x1;
	_ =	shalt  }
.Lfunc_end2:
_tile_overlayer_lowered:
.L_overlay_start_2:
0xbc: {  	(tag) =	ssettag $0x2  }
0xbd: {  	s0 =	rddreg [dreg:$0x0];
	s2 =	stileid.u32  }
0xbe: {  	s1 =	rddreg [dreg:$0x1];
	p0 =	sne.s32 s2, $0x0  }
0xbf: {  	s3 =	rddreg [dreg:$0x2];
	[bflag:$0x3] =	sbarrier.arrive $0xFFFF;
	s2 =	simm.s32 @!p0 $0x1C0C  }
0xc0: {  	[timem:s3], [sflag:s2] =	dma.local @!p0 [hbm:s0], s1  }
0xc1: {  	s0 =	simm.s32 @!p0 $0xC  }
0xc2: {  	_ =	swait.ge @!p0 [sflag:s0], s1  }
0xc3: {  	s1 =	ssub.s32 @!p0 $0x0, s1;
	[sflag:s0] =	ssyncset.done @!p0 $0x0  }
0xc4: {  	[sflag:s0] =	ssyncadd.s32 @!p0 s1  }
0xc5: {  	[bflag:$0x3] =	sbarrier.arrive $0xFFFF  }
0xc6: {  	_ =	shalt  }

</sc_bundles>
